<compile_context>
chip_gen: v7x
topology: tpu7x:2x2x1
jax: 0.10.2.dev20260603
libtpu: 0.0.44.dev20260713+nightly
codegen_flags: <defaults>
</compile_context>

<pallas_src>
import functools

import jax
import jax.numpy as jnp
from jax import lax
from jax.experimental import pallas as pl
from jax.experimental.pallas import tpu as pltpu
from jax.experimental.pallas import tpu_sc as plsc

_EMBED = 16
_BATCH = 16384
_ROWS = 128
_COLS = 128
_NC, _NS = 2, 16
_NW = _NC * _NS
_RPW = _ROWS // _NW
_REGS = 1e-05

_mesh = plsc.VectorSubcoreMesh(core_axis_name="c", subcore_axis_name="s")


@functools.partial(
    pl.kernel,
    mesh=_mesh,
    compiler_params=pltpu.CompilerParams(use_tc_tiling_on_sc=False),
    out_type=[
        jax.ShapeDtypeStruct((_ROWS, _COLS, _EMBED), jnp.float32),
        jax.ShapeDtypeStruct((_ROWS, _COLS, _EMBED), jnp.float32),
        jax.ShapeDtypeStruct((_ROWS, _COLS, _EMBED), jnp.float32),
    ],
    scratch_types=[
        pltpu.VMEM((_RPW, _COLS), jnp.int32),
        pltpu.VMEM((_RPW, _COLS), jnp.int32),
        pltpu.VMEM((_RPW, _COLS), jnp.int32),
        pltpu.VMEM((_RPW, _COLS, _EMBED), jnp.float32),
        pltpu.VMEM((_RPW, _COLS, _EMBED), jnp.float32),
        pltpu.VMEM((_RPW, _COLS, _EMBED), jnp.float32),
        pltpu.SemaphoreType.DMA,
    ],
)
def _sc_gather(user_h, pos_h, neg_h, ue_h, ie_h, out_u, out_p, out_n,
               idx_u, idx_p, idx_n, buf_u, buf_p, buf_n, sem):
    wid = lax.axis_index("s") * _NC + lax.axis_index("c")
    base = wid * _RPW
    pltpu.sync_copy(user_h.at[pl.ds(base, _RPW)], idx_u)
    pltpu.sync_copy(pos_h.at[pl.ds(base, _RPW)], idx_p)
    pltpu.sync_copy(neg_h.at[pl.ds(base, _RPW)], idx_n)
    copies = []
    for j in range(_RPW):
        copies.append(pltpu.async_copy(ue_h.at[idx_u.at[j]], buf_u.at[j], sem))
        copies.append(pltpu.async_copy(ie_h.at[idx_p.at[j]], buf_p.at[j], sem))
        copies.append(pltpu.async_copy(ie_h.at[idx_n.at[j]], buf_n.at[j], sem))
    for c in copies:
        c.wait()
    pltpu.sync_copy(buf_u, out_u.at[pl.ds(base, _RPW)])
    pltpu.sync_copy(buf_p, out_p.at[pl.ds(base, _RPW)])
    pltpu.sync_copy(buf_n, out_n.at[pl.ds(base, _RPW)])


def _tc_loss(u_ref, p_ref, n_ref, bpr_ref, reg_ref):
    u = u_ref[...]
    p = p_ref[...]
    n = n_ref[...]
    sumsq = jnp.sum(u * u) + jnp.sum(p * p) + jnp.sum(n * n)
    x = (p - n) * u
    ri = lax.broadcasted_iota(jnp.int32, (128, 128 // _EMBED), 0)
    cj = lax.broadcasted_iota(jnp.int32, (128, 128 // _EMBED), 1)
    m = jnp.where(ri // _EMBED == cj, 1.0, 0.0).astype(jnp.float32)
    d = jax.lax.dot(x, m, precision=jax.lax.Precision.HIGHEST)
    sp = jnp.maximum(-d, 0.0) + jnp.log(1.0 + jnp.exp(-jnp.abs(d)))
    bpr_ref[...] = (jnp.sum(sp) / jnp.float32(_BATCH)).reshape(1, 1)
    reg_ref[...] = (jnp.float32(_REGS * 0.5) * sumsq).reshape(1, 1)


def kernel(user, pos, neg, user_embedding, item_embedding):
    user2 = user.reshape(_ROWS, _COLS).astype(jnp.int32)
    pos2 = pos.reshape(_ROWS, _COLS).astype(jnp.int32)
    neg2 = neg.reshape(_ROWS, _COLS).astype(jnp.int32)
    gu, gp, gn = _sc_gather(user2, pos2, neg2, user_embedding, item_embedding)
    flat = (_BATCH * _EMBED // 128, 128)
    bpr, reg = pl.pallas_call(
        _tc_loss,
        out_shape=(
            jax.ShapeDtypeStruct((1, 1), jnp.float32),
            jax.ShapeDtypeStruct((1, 1), jnp.float32),
        ),
    )(gu.reshape(flat), gp.reshape(flat), gn.reshape(flat))
    return (bpr[0, 0], reg[0, 0])

# --- scband reference (transcript-rebuilt; emitter-appended) ---
"""Pipeline reference for scband-discriminator-12292196401754 (READ-ONLY COPY).

The authoritative reference and input builder live on the scoring server;
editing this copy changes nothing except your own understanding.
"""

import jax, jax.numpy as jnp
import numpy as np

N_USERS = 1000000
N_ITEMS = 1000000
EMBED = 16
BATCH = 16384
REGS = 1e-05


def l2_loss(*tensors):
    # tf.nn.l2_loss-style: sum(t**2)/2 for each tensor, summed
    return sum(jnp.sum(t * t) / 2.0 for t in tensors)


def setup_inputs(seed: int = 0) -> dict:
    key = jax.random.key(seed)
    k0, k1, k2, k3, k4 = jax.random.split(key, 5)
    user = jax.random.randint(k0, (BATCH,), 0, N_USERS, dtype=jnp.int64 if jax.config.jax_enable_x64 else jnp.int32)
    pos = jax.random.randint(k1, (BATCH,), 0, N_ITEMS, dtype=jnp.int64 if jax.config.jax_enable_x64 else jnp.int32)
    neg = jax.random.randint(k2, (BATCH,), 0, N_ITEMS, dtype=jnp.int64 if jax.config.jax_enable_x64 else jnp.int32)
    # xavier_uniform init: bound = sqrt(6/(fan_in+fan_out))
    bound_u = float(np.sqrt(6.0 / (N_USERS + EMBED)))
    bound_i = float(np.sqrt(6.0 / (N_ITEMS + EMBED)))
    user_embedding = jax.random.uniform(k3, (N_USERS, EMBED), dtype=jnp.float32, minval=-bound_u, maxval=bound_u)
    item_embedding = jax.random.uniform(k4, (N_ITEMS, EMBED), dtype=jnp.float32, minval=-bound_i, maxval=bound_i)
    return {"user": user, "pos": pos, "neg": neg,
            "user_embedding": user_embedding, "item_embedding": item_embedding}


def reference(user, pos, neg, user_embedding, item_embedding):
    u_e = user_embedding[user]
    pos_e = item_embedding[pos]
    neg_e = item_embedding[neg]
    reg_loss = REGS * l2_loss(u_e, pos_e, neg_e)
    pos_score = jnp.sum(pos_e * u_e, axis=1)
    neg_score = jnp.sum(neg_e * u_e, axis=1)
    maxi = jnp.log(jax.nn.sigmoid(pos_score - neg_score))
    bpr_loss = -jnp.mean(maxi)
    return (bpr_loss, reg_loss)

if __name__ == "__main__":
    import jax
    _d = setup_inputs()
    print(jax.jit(kernel)(*tuple(_d.values())))

</pallas_src>

<mosaic_0001>
#map = affine_map<(d0, d1) -> (0, 0)>
#map1 = affine_map<(d0, d1) -> (0, 0, 0)>
module attributes {stable_mosaic.version = 14 : i64} {
  func.func @_sc_gather(%arg0: i32, %arg1: i32, %arg2: memref<128x128xi32, #tpu.memory_space<hbm>>, %arg3: memref<128x128xi32, #tpu.memory_space<hbm>>, %arg4: memref<128x128xi32, #tpu.memory_space<hbm>>, %arg5: memref<1000000x16xf32, #tpu.memory_space<hbm>>, %arg6: memref<1000000x16xf32, #tpu.memory_space<hbm>>, %arg7: memref<128x128x16xf32, #tpu.memory_space<hbm>>, %arg8: memref<128x128x16xf32, #tpu.memory_space<hbm>>, %arg9: memref<128x128x16xf32, #tpu.memory_space<hbm>>, %arg10: memref<4x128xi32, #tpu.memory_space<vmem>>, %arg11: memref<4x128xi32, #tpu.memory_space<vmem>>, %arg12: memref<4x128xi32, #tpu.memory_space<vmem>>, %arg13: memref<4x128x16xf32, #tpu.memory_space<vmem>>, %arg14: memref<4x128x16xf32, #tpu.memory_space<vmem>>, %arg15: memref<4x128x16xf32, #tpu.memory_space<vmem>>, %arg16: memref<!tpu.dma_semaphore, #tpu.memory_space<semaphore_mem>>) attributes {dimension_semantics = [#tpu.dimension_semantics<core_parallel>, #tpu.dimension_semantics<subcore_parallel>], iteration_bounds = array<i64: 2, 16>, scalar_prefetch = 0 : i64, scratch_operands = 7 : i64, tpu.core_type = #tpu.core_type<sc_vector_subcore>, window_params = [{transform_indices = #map}, {transform_indices = #map}, {transform_indices = #map}, {transform_indices = #map}, {transform_indices = #map}, {transform_indices = #map1}, {transform_indices = #map1}, {transform_indices = #map1}]} {
    %mul3A = arith.constant 2 : i32
    %mul3A_0 = arith.muli %arg1, %mul3A : i32
    %add3A = arith.addi %mul3A_0, %arg0 : i32
    %mul3A_1 = arith.constant 4 : i32
    %mul3A_2 = arith.muli %add3A, %mul3A_1 : i32
    "tpu.region"() ({
      %run_scoped3A = tpu.sem_alloc : memref<!tpu.dma_semaphore, #tpu.memory_space<semaphore_mem>>
      %dma_start3A_289 = arith.constant 0 : i32
      %dma_start3A_290 = tpu.memref_slice %arg2[%mul3A_2, %dma_start3A_289] : memref<128x128xi32, #tpu.memory_space<hbm>> -> memref<4x128xi32, #tpu.memory_space<hbm>>
      %dma_start3A_291 = arith.constant 0 : i32
      %dma_start3A_292 = tpu.memref_slice %arg2[%mul3A_2, %dma_start3A_291] : memref<128x128xi32, #tpu.memory_space<hbm>> -> memref<4x128xi32, #tpu.memory_space<hbm>>
      tpu.enqueue_dma source(%dma_start3A_292 : memref<4x128xi32, #tpu.memory_space<hbm>>) target(%arg10 : memref<4x128xi32, #tpu.memory_space<vmem>>) target_semaphore(%run_scoped3A : memref<!tpu.dma_semaphore, #tpu.memory_space<semaphore_mem>>)
      %dma_wait3A_293 = arith.constant 0 : i32
      %dma_wait3A_294 = tpu.memref_slice %arg2[%mul3A_2, %dma_wait3A_293] : memref<128x128xi32, #tpu.memory_space<hbm>> -> memref<4x128xi32, #tpu.memory_space<hbm>>
      %dma_wait3A_295 = arith.constant 0 : i32
      %dma_wait3A_296 = tpu.memref_slice %arg2[%mul3A_2, %dma_wait3A_295] : memref<128x128xi32, #tpu.memory_space<hbm>> -> memref<4x128xi32, #tpu.memory_space<hbm>>
      tpu.wait_dma2 semaphore(%run_scoped3A : memref<!tpu.dma_semaphore, #tpu.memory_space<semaphore_mem>>) src(%dma_wait3A_296 : memref<4x128xi32, #tpu.memory_space<hbm>>) dst(%arg10 : memref<4x128xi32, #tpu.memory_space<vmem>>)
      tpu.yield
    }) : () -> ()
    "tpu.region"() ({
      %run_scoped3A = tpu.sem_alloc : memref<!tpu.dma_semaphore, #tpu.memory_space<semaphore_mem>>
      %dma_start3A_289 = arith.constant 0 : i32
      %dma_start3A_290 = tpu.memref_slice %arg3[%mul3A_2, %dma_start3A_289] : memref<128x128xi32, #tpu.memory_space<hbm>> -> memref<4x128xi32, #tpu.memory_space<hbm>>
      %dma_start3A_291 = arith.constant 0 : i32
      %dma_start3A_292 = tpu.memref_slice %arg3[%mul3A_2, %dma_start3A_291] : memref<128x128xi32, #tpu.memory_space<hbm>> -> memref<4x128xi32, #tpu.memory_space<hbm>>
      tpu.enqueue_dma source(%dma_start3A_292 : memref<4x128xi32, #tpu.memory_space<hbm>>) target(%arg11 : memref<4x128xi32, #tpu.memory_space<vmem>>) target_semaphore(%run_scoped3A : memref<!tpu.dma_semaphore, #tpu.memory_space<semaphore_mem>>)
      %dma_wait3A_293 = arith.constant 0 : i32
      %dma_wait3A_294 = tpu.memref_slice %arg3[%mul3A_2, %dma_wait3A_293] : memref<128x128xi32, #tpu.memory_space<hbm>> -> memref<4x128xi32, #tpu.memory_space<hbm>>
      %dma_wait3A_295 = arith.constant 0 : i32
      %dma_wait3A_296 = tpu.memref_slice %arg3[%mul3A_2, %dma_wait3A_295] : memref<128x128xi32, #tpu.memory_space<hbm>> -> memref<4x128xi32, #tpu.memory_space<hbm>>
      tpu.wait_dma2 semaphore(%run_scoped3A : memref<!tpu.dma_semaphore, #tpu.memory_space<semaphore_mem>>) src(%dma_wait3A_296 : memref<4x128xi32, #tpu.memory_space<hbm>>) dst(%arg11 : memref<4x128xi32, #tpu.memory_space<vmem>>)
      tpu.yield
    }) : () -> ()
    "tpu.region"() ({
      %run_scoped3A = tpu.sem_alloc : memref<!tpu.dma_semaphore, #tpu.memory_space<semaphore_mem>>
      %dma_start3A_289 = arith.constant 0 : i32
      %dma_start3A_290 = tpu.memref_slice %arg4[%mul3A_2, %dma_start3A_289] : memref<128x128xi32, #tpu.memory_space<hbm>> -> memref<4x128xi32, #tpu.memory_space<hbm>>
      %dma_start3A_291 = arith.constant 0 : i32
      %dma_start3A_292 = tpu.memref_slice %arg4[%mul3A_2, %dma_start3A_291] : memref<128x128xi32, #tpu.memory_space<hbm>> -> memref<4x128xi32, #tpu.memory_space<hbm>>
      tpu.enqueue_dma source(%dma_start3A_292 : memref<4x128xi32, #tpu.memory_space<hbm>>) target(%arg12 : memref<4x128xi32, #tpu.memory_space<vmem>>) target_semaphore(%run_scoped3A : memref<!tpu.dma_semaphore, #tpu.memory_space<semaphore_mem>>)
      %dma_wait3A_293 = arith.constant 0 : i32
      %dma_wait3A_294 = tpu.memref_slice %arg4[%mul3A_2, %dma_wait3A_293] : memref<128x128xi32, #tpu.memory_space<hbm>> -> memref<4x128xi32, #tpu.memory_space<hbm>>
      %dma_wait3A_295 = arith.constant 0 : i32
      %dma_wait3A_296 = tpu.memref_slice %arg4[%mul3A_2, %dma_wait3A_295] : memref<128x128xi32, #tpu.memory_space<hbm>> -> memref<4x128xi32, #tpu.memory_space<hbm>>
      tpu.wait_dma2 semaphore(%run_scoped3A : memref<!tpu.dma_semaphore, #tpu.memory_space<semaphore_mem>>) src(%dma_wait3A_296 : memref<4x128xi32, #tpu.memory_space<hbm>>) dst(%arg12 : memref<4x128xi32, #tpu.memory_space<vmem>>)
      tpu.yield
    }) : () -> ()
    %dma_start3A = arith.constant 0 : i32
    %dma_start3A_3 = arith.constant 0 : i32
    %dma_start3A_4 = arith.constant 0 : i32
    %dma_start3A_5 = arith.constant 0 : i32
    %dma_start3A_6 = tpu.memref_slice %arg13[%dma_start3A_3, %dma_start3A_4, %dma_start3A_5] : memref<4x128x16xf32, #tpu.memory_space<vmem>> -> memref<1x128x16xf32, #tpu.memory_space<vmem>>
    %dma_start3A_7 = tpu.memref_squeeze %dma_start3A_6 : memref<1x128x16xf32, #tpu.memory_space<vmem>> -> memref<128x16xf32, #tpu.memory_space<vmem>>
    %dma_start3A_8 = arith.constant 0 : i32
    %dma_start3A_9 = tpu.memref_slice %arg10[%dma_start3A, %dma_start3A_8] : memref<4x128xi32, #tpu.memory_space<vmem>> -> memref<1x128xi32, #tpu.memory_space<vmem>>
    %dma_start3A_10 = tpu.memref_squeeze %dma_start3A_9 : memref<1x128xi32, #tpu.memory_space<vmem>> -> memref<128xi32, #tpu.memory_space<vmem>>
    %dma_start3A_11 = arith.constant 0 : i32
    %dma_start3A_12 = arith.constant 0 : i32
    %dma_start3A_13 = tpu.memref_slice %arg5[%dma_start3A_11, %dma_start3A_12] : memref<1000000x16xf32, #tpu.memory_space<hbm>> -> memref<1000000x16xf32, #tpu.memory_space<hbm>>
    tpu.enqueue_indirect_dma source(%dma_start3A_13 : memref<1000000x16xf32, #tpu.memory_space<hbm>>) target(%dma_start3A_7 : memref<128x16xf32, #tpu.memory_space<vmem>>) offsets(%dma_start3A_10 : memref<128xi32, #tpu.memory_space<vmem>>) semaphore(%arg16 : memref<!tpu.dma_semaphore, #tpu.memory_space<semaphore_mem>>)
    %dma_start3A_14 = arith.constant 0 : i32
    %dma_start3A_15 = arith.constant 0 : i32
    %dma_start3A_16 = arith.constant 0 : i32
    %dma_start3A_17 = arith.constant 0 : i32
    %dma_start3A_18 = tpu.memref_slice %arg14[%dma_start3A_15, %dma_start3A_16, %dma_start3A_17] : memref<4x128x16xf32, #tpu.memory_space<vmem>> -> memref<1x128x16xf32, #tpu.memory_space<vmem>>
    %dma_start3A_19 = tpu.memref_squeeze %dma_start3A_18 : memref<1x128x16xf32, #tpu.memory_space<vmem>> -> memref<128x16xf32, #tpu.memory_space<vmem>>
    %dma_start3A_20 = arith.constant 0 : i32
    %dma_start3A_21 = tpu.memref_slice %arg11[%dma_start3A_14, %dma_start3A_20] : memref<4x128xi32, #tpu.memory_space<vmem>> -> memref<1x128xi32, #tpu.memory_space<vmem>>
    %dma_start3A_22 = tpu.memref_squeeze %dma_start3A_21 : memref<1x128xi32, #tpu.memory_space<vmem>> -> memref<128xi32, #tpu.memory_space<vmem>>
    %dma_start3A_23 = arith.constant 0 : i32
    %dma_start3A_24 = arith.constant 0 : i32
    %dma_start3A_25 = tpu.memref_slice %arg6[%dma_start3A_23, %dma_start3A_24] : memref<1000000x16xf32, #tpu.memory_space<hbm>> -> memref<1000000x16xf32, #tpu.memory_space<hbm>>
    tpu.enqueue_indirect_dma source(%dma_start3A_25 : memref<1000000x16xf32, #tpu.memory_space<hbm>>) target(%dma_start3A_19 : memref<128x16xf32, #tpu.memory_space<vmem>>) offsets(%dma_start3A_22 : memref<128xi32, #tpu.memory_space<vmem>>) semaphore(%arg16 : memref<!tpu.dma_semaphore, #tpu.memory_space<semaphore_mem>>)
    %dma_start3A_26 = arith.constant 0 : i32
    %dma_start3A_27 = arith.constant 0 : i32
    %dma_start3A_28 = arith.constant 0 : i32
    %dma_start3A_29 = arith.constant 0 : i32
    %dma_start3A_30 = tpu.memref_slice %arg15[%dma_start3A_27, %dma_start3A_28, %dma_start3A_29] : memref<4x128x16xf32, #tpu.memory_space<vmem>> -> memref<1x128x16xf32, #tpu.memory_space<vmem>>
    %dma_start3A_31 = tpu.memref_squeeze %dma_start3A_30 : memref<1x128x16xf32, #tpu.memory_space<vmem>> -> memref<128x16xf32, #tpu.memory_space<vmem>>
    %dma_start3A_32 = arith.constant 0 : i32
    %dma_start3A_33 = tpu.memref_slice %arg12[%dma_start3A_26, %dma_start3A_32] : memref<4x128xi32, #tpu.memory_space<vmem>> -> memref<1x128xi32, #tpu.memory_space<vmem>>
    %dma_start3A_34 = tpu.memref_squeeze %dma_start3A_33 : memref<1x128xi32, #tpu.memory_space<vmem>> -> memref<128xi32, #tpu.memory_space<vmem>>
    %dma_start3A_35 = arith.constant 0 : i32
    %dma_start3A_36 = arith.constant 0 : i32
    %dma_start3A_37 = tpu.memref_slice %arg6[%dma_start3A_35, %dma_start3A_36] : memref<1000000x16xf32, #tpu.memory_space<hbm>> -> memref<1000000x16xf32, #tpu.memory_space<hbm>>
    tpu.enqueue_indirect_dma source(%dma_start3A_37 : memref<1000000x16xf32, #tpu.memory_space<hbm>>) target(%dma_start3A_31 : memref<128x16xf32, #tpu.memory_space<vmem>>) offsets(%dma_start3A_34 : memref<128xi32, #tpu.memory_space<vmem>>) semaphore(%arg16 : memref<!tpu.dma_semaphore, #tpu.memory_space<semaphore_mem>>)
    %dma_start3A_38 = arith.constant 1 : i32
    %dma_start3A_39 = arith.constant 1 : i32
    %dma_start3A_40 = arith.constant 0 : i32
    %dma_start3A_41 = arith.constant 0 : i32
    %dma_start3A_42 = tpu.memref_slice %arg13[%dma_start3A_39, %dma_start3A_40, %dma_start3A_41] : memref<4x128x16xf32, #tpu.memory_space<vmem>> -> memref<1x128x16xf32, #tpu.memory_space<vmem>>
    %dma_start3A_43 = tpu.memref_squeeze %dma_start3A_42 : memref<1x128x16xf32, #tpu.memory_space<vmem>> -> memref<128x16xf32, #tpu.memory_space<vmem>>
    %dma_start3A_44 = arith.constant 0 : i32
    %dma_start3A_45 = tpu.memref_slice %arg10[%dma_start3A_38, %dma_start3A_44] : memref<4x128xi32, #tpu.memory_space<vmem>> -> memref<1x128xi32, #tpu.memory_space<vmem>>
    %dma_start3A_46 = tpu.memref_squeeze %dma_start3A_45 : memref<1x128xi32, #tpu.memory_space<vmem>> -> memref<128xi32, #tpu.memory_space<vmem>>
    %dma_start3A_47 = arith.constant 0 : i32
    %dma_start3A_48 = arith.constant 0 : i32
    %dma_start3A_49 = tpu.memref_slice %arg5[%dma_start3A_47, %dma_start3A_48] : memref<1000000x16xf32, #tpu.memory_space<hbm>> -> memref<1000000x16xf32, #tpu.memory_space<hbm>>
    tpu.enqueue_indirect_dma source(%dma_start3A_49 : memref<1000000x16xf32, #tpu.memory_space<hbm>>) target(%dma_start3A_43 : memref<128x16xf32, #tpu.memory_space<vmem>>) offsets(%dma_start3A_46 : memref<128xi32, #tpu.memory_space<vmem>>) semaphore(%arg16 : memref<!tpu.dma_semaphore, #tpu.memory_space<semaphore_mem>>)
    %dma_start3A_50 = arith.constant 1 : i32
    %dma_start3A_51 = arith.constant 1 : i32
    %dma_start3A_52 = arith.constant 0 : i32
    %dma_start3A_53 = arith.constant 0 : i32
    %dma_start3A_54 = tpu.memref_slice %arg14[%dma_start3A_51, %dma_start3A_52, %dma_start3A_53] : memref<4x128x16xf32, #tpu.memory_space<vmem>> -> memref<1x128x16xf32, #tpu.memory_space<vmem>>
    %dma_start3A_55 = tpu.memref_squeeze %dma_start3A_54 : memref<1x128x16xf32, #tpu.memory_space<vmem>> -> memref<128x16xf32, #tpu.memory_space<vmem>>
    %dma_start3A_56 = arith.constant 0 : i32
    %dma_start3A_57 = tpu.memref_slice %arg11[%dma_start3A_50, %dma_start3A_56] : memref<4x128xi32, #tpu.memory_space<vmem>> -> memref<1x128xi32, #tpu.memory_space<vmem>>
    %dma_start3A_58 = tpu.memref_squeeze %dma_start3A_57 : memref<1x128xi32, #tpu.memory_space<vmem>> -> memref<128xi32, #tpu.memory_space<vmem>>
    %dma_start3A_59 = arith.constant 0 : i32
    %dma_start3A_60 = arith.constant 0 : i32
    %dma_start3A_61 = tpu.memref_slice %arg6[%dma_start3A_59, %dma_start3A_60] : memref<1000000x16xf32, #tpu.memory_space<hbm>> -> memref<1000000x16xf32, #tpu.memory_space<hbm>>
    tpu.enqueue_indirect_dma source(%dma_start3A_61 : memref<1000000x16xf32, #tpu.memory_space<hbm>>) target(%dma_start3A_55 : memref<128x16xf32, #tpu.memory_space<vmem>>) offsets(%dma_start3A_58 : memref<128xi32, #tpu.memory_space<vmem>>) semaphore(%arg16 : memref<!tpu.dma_semaphore, #tpu.memory_space<semaphore_mem>>)
    %dma_start3A_62 = arith.constant 1 : i32
    %dma_start3A_63 = arith.constant 1 : i32
    %dma_start3A_64 = arith.constant 0 : i32
    %dma_start3A_65 = arith.constant 0 : i32
    %dma_start3A_66 = tpu.memref_slice %arg15[%dma_start3A_63, %dma_start3A_64, %dma_start3A_65] : memref<4x128x16xf32, #tpu.memory_space<vmem>> -> memref<1x128x16xf32, #tpu.memory_space<vmem>>
    %dma_start3A_67 = tpu.memref_squeeze %dma_start3A_66 : memref<1x128x16xf32, #tpu.memory_space<vmem>> -> memref<128x16xf32, #tpu.memory_space<vmem>>
    %dma_start3A_68 = arith.constant 0 : i32
    %dma_start3A_69 = tpu.memref_slice %arg12[%dma_start3A_62, %dma_start3A_68] : memref<4x128xi32, #tpu.memory_space<vmem>> -> memref<1x128xi32, #tpu.memory_space<vmem>>
    %dma_start3A_70 = tpu.memref_squeeze %dma_start3A_69 : memref<1x128xi32, #tpu.memory_space<vmem>> -> memref<128xi32, #tpu.memory_space<vmem>>
    %dma_start3A_71 = arith.constant 0 : i32
    %dma_start3A_72 = arith.constant 0 : i32
    %dma_start3A_73 = tpu.memref_slice %arg6[%dma_start3A_71, %dma_start3A_72] : memref<1000000x16xf32, #tpu.memory_space<hbm>> -> memref<1000000x16xf32, #tpu.memory_space<hbm>>
    tpu.enqueue_indirect_dma source(%dma_start3A_73 : memref<1000000x16xf32, #tpu.memory_space<hbm>>) target(%dma_start3A_67 : memref<128x16xf32, #tpu.memory_space<vmem>>) offsets(%dma_start3A_70 : memref<128xi32, #tpu.memory_space<vmem>>) semaphore(%arg16 : memref<!tpu.dma_semaphore, #tpu.memory_space<semaphore_mem>>)
    %dma_start3A_74 = arith.constant 2 : i32
    %dma_start3A_75 = arith.constant 2 : i32
    %dma_start3A_76 = arith.constant 0 : i32
    %dma_start3A_77 = arith.constant 0 : i32
    %dma_start3A_78 = tpu.memref_slice %arg13[%dma_start3A_75, %dma_start3A_76, %dma_start3A_77] : memref<4x128x16xf32, #tpu.memory_space<vmem>> -> memref<1x128x16xf32, #tpu.memory_space<vmem>>
    %dma_start3A_79 = tpu.memref_squeeze %dma_start3A_78 : memref<1x128x16xf32, #tpu.memory_space<vmem>> -> memref<128x16xf32, #tpu.memory_space<vmem>>
    %dma_start3A_80 = arith.constant 0 : i32
    %dma_start3A_81 = tpu.memref_slice %arg10[%dma_start3A_74, %dma_start3A_80] : memref<4x128xi32, #tpu.memory_space<vmem>> -> memref<1x128xi32, #tpu.memory_space<vmem>>
    %dma_start3A_82 = tpu.memref_squeeze %dma_start3A_81 : memref<1x128xi32, #tpu.memory_space<vmem>> -> memref<128xi32, #tpu.memory_space<vmem>>
    %dma_start3A_83 = arith.constant 0 : i32
    %dma_start3A_84 = arith.constant 0 : i32
    %dma_start3A_85 = tpu.memref_slice %arg5[%dma_start3A_83, %dma_start3A_84] : memref<1000000x16xf32, #tpu.memory_space<hbm>> -> memref<1000000x16xf32, #tpu.memory_space<hbm>>
    tpu.enqueue_indirect_dma source(%dma_start3A_85 : memref<1000000x16xf32, #tpu.memory_space<hbm>>) target(%dma_start3A_79 : memref<128x16xf32, #tpu.memory_space<vmem>>) offsets(%dma_start3A_82 : memref<128xi32, #tpu.memory_space<vmem>>) semaphore(%arg16 : memref<!tpu.dma_semaphore, #tpu.memory_space<semaphore_mem>>)
    %dma_start3A_86 = arith.constant 2 : i32
    %dma_start3A_87 = arith.constant 2 : i32
    %dma_start3A_88 = arith.constant 0 : i32
    %dma_start3A_89 = arith.constant 0 : i32
    %dma_start3A_90 = tpu.memref_slice %arg14[%dma_start3A_87, %dma_start3A_88, %dma_start3A_89] : memref<4x128x16xf32, #tpu.memory_space<vmem>> -> memref<1x128x16xf32, #tpu.memory_space<vmem>>
    %dma_start3A_91 = tpu.memref_squeeze %dma_start3A_90 : memref<1x128x16xf32, #tpu.memory_space<vmem>> -> memref<128x16xf32, #tpu.memory_space<vmem>>
    %dma_start3A_92 = arith.constant 0 : i32
    %dma_start3A_93 = tpu.memref_slice %arg11[%dma_start3A_86, %dma_start3A_92] : memref<4x128xi32, #tpu.memory_space<vmem>> -> memref<1x128xi32, #tpu.memory_space<vmem>>
    %dma_start3A_94 = tpu.memref_squeeze %dma_start3A_93 : memref<1x128xi32, #tpu.memory_space<vmem>> -> memref<128xi32, #tpu.memory_space<vmem>>
    %dma_start3A_95 = arith.constant 0 : i32
    %dma_start3A_96 = arith.constant 0 : i32
    %dma_start3A_97 = tpu.memref_slice %arg6[%dma_start3A_95, %dma_start3A_96] : memref<1000000x16xf32, #tpu.memory_space<hbm>> -> memref<1000000x16xf32, #tpu.memory_space<hbm>>
    tpu.enqueue_indirect_dma source(%dma_start3A_97 : memref<1000000x16xf32, #tpu.memory_space<hbm>>) target(%dma_start3A_91 : memref<128x16xf32, #tpu.memory_space<vmem>>) offsets(%dma_start3A_94 : memref<128xi32, #tpu.memory_space<vmem>>) semaphore(%arg16 : memref<!tpu.dma_semaphore, #tpu.memory_space<semaphore_mem>>)
    %dma_start3A_98 = arith.constant 2 : i32
    %dma_start3A_99 = arith.constant 2 : i32
    %dma_start3A_100 = arith.constant 0 : i32
    %dma_start3A_101 = arith.constant 0 : i32
    %dma_start3A_102 = tpu.memref_slice %arg15[%dma_start3A_99, %dma_start3A_100, %dma_start3A_101] : memref<4x128x16xf32, #tpu.memory_space<vmem>> -> memref<1x128x16xf32, #tpu.memory_space<vmem>>
    %dma_start3A_103 = tpu.memref_squeeze %dma_start3A_102 : memref<1x128x16xf32, #tpu.memory_space<vmem>> -> memref<128x16xf32, #tpu.memory_space<vmem>>
    %dma_start3A_104 = arith.constant 0 : i32
    %dma_start3A_105 = tpu.memref_slice %arg12[%dma_start3A_98, %dma_start3A_104] : memref<4x128xi32, #tpu.memory_space<vmem>> -> memref<1x128xi32, #tpu.memory_space<vmem>>
    %dma_start3A_106 = tpu.memref_squeeze %dma_start3A_105 : memref<1x128xi32, #tpu.memory_space<vmem>> -> memref<128xi32, #tpu.memory_space<vmem>>
    %dma_start3A_107 = arith.constant 0 : i32
    %dma_start3A_108 = arith.constant 0 : i32
    %dma_start3A_109 = tpu.memref_slice %arg6[%dma_start3A_107, %dma_start3A_108] : memref<1000000x16xf32, #tpu.memory_space<hbm>> -> memref<1000000x16xf32, #tpu.memory_space<hbm>>
    tpu.enqueue_indirect_dma source(%dma_start3A_109 : memref<1000000x16xf32, #tpu.memory_space<hbm>>) target(%dma_start3A_103 : memref<128x16xf32, #tpu.memory_space<vmem>>) offsets(%dma_start3A_106 : memref<128xi32, #tpu.memory_space<vmem>>) semaphore(%arg16 : memref<!tpu.dma_semaphore, #tpu.memory_space<semaphore_mem>>)
    %dma_start3A_110 = arith.constant 3 : i32
    %dma_start3A_111 = arith.constant 3 : i32
    %dma_start3A_112 = arith.constant 0 : i32
    %dma_start3A_113 = arith.constant 0 : i32
    %dma_start3A_114 = tpu.memref_slice %arg13[%dma_start3A_111, %dma_start3A_112, %dma_start3A_113] : memref<4x128x16xf32, #tpu.memory_space<vmem>> -> memref<1x128x16xf32, #tpu.memory_space<vmem>>
    %dma_start3A_115 = tpu.memref_squeeze %dma_start3A_114 : memref<1x128x16xf32, #tpu.memory_space<vmem>> -> memref<128x16xf32, #tpu.memory_space<vmem>>
    %dma_start3A_116 = arith.constant 0 : i32
    %dma_start3A_117 = tpu.memref_slice %arg10[%dma_start3A_110, %dma_start3A_116] : memref<4x128xi32, #tpu.memory_space<vmem>> -> memref<1x128xi32, #tpu.memory_space<vmem>>
    %dma_start3A_118 = tpu.memref_squeeze %dma_start3A_117 : memref<1x128xi32, #tpu.memory_space<vmem>> -> memref<128xi32, #tpu.memory_space<vmem>>
    %dma_start3A_119 = arith.constant 0 : i32
    %dma_start3A_120 = arith.constant 0 : i32
    %dma_start3A_121 = tpu.memref_slice %arg5[%dma_start3A_119, %dma_start3A_120] : memref<1000000x16xf32, #tpu.memory_space<hbm>> -> memref<1000000x16xf32, #tpu.memory_space<hbm>>
    tpu.enqueue_indirect_dma source(%dma_start3A_121 : memref<1000000x16xf32, #tpu.memory_space<hbm>>) target(%dma_start3A_115 : memref<128x16xf32, #tpu.memory_space<vmem>>) offsets(%dma_start3A_118 : memref<128xi32, #tpu.memory_space<vmem>>) semaphore(%arg16 : memref<!tpu.dma_semaphore, #tpu.memory_space<semaphore_mem>>)
    %dma_start3A_122 = arith.constant 3 : i32
    %dma_start3A_123 = arith.constant 3 : i32
    %dma_start3A_124 = arith.constant 0 : i32
    %dma_start3A_125 = arith.constant 0 : i32
    %dma_start3A_126 = tpu.memref_slice %arg14[%dma_start3A_123, %dma_start3A_124, %dma_start3A_125] : memref<4x128x16xf32, #tpu.memory_space<vmem>> -> memref<1x128x16xf32, #tpu.memory_space<vmem>>
    %dma_start3A_127 = tpu.memref_squeeze %dma_start3A_126 : memref<1x128x16xf32, #tpu.memory_space<vmem>> -> memref<128x16xf32, #tpu.memory_space<vmem>>
    %dma_start3A_128 = arith.constant 0 : i32
    %dma_start3A_129 = tpu.memref_slice %arg11[%dma_start3A_122, %dma_start3A_128] : memref<4x128xi32, #tpu.memory_space<vmem>> -> memref<1x128xi32, #tpu.memory_space<vmem>>
    %dma_start3A_130 = tpu.memref_squeeze %dma_start3A_129 : memref<1x128xi32, #tpu.memory_space<vmem>> -> memref<128xi32, #tpu.memory_space<vmem>>
    %dma_start3A_131 = arith.constant 0 : i32
    %dma_start3A_132 = arith.constant 0 : i32
    %dma_start3A_133 = tpu.memref_slice %arg6[%dma_start3A_131, %dma_start3A_132] : memref<1000000x16xf32, #tpu.memory_space<hbm>> -> memref<1000000x16xf32, #tpu.memory_space<hbm>>
    tpu.enqueue_indirect_dma source(%dma_start3A_133 : memref<1000000x16xf32, #tpu.memory_space<hbm>>) target(%dma_start3A_127 : memref<128x16xf32, #tpu.memory_space<vmem>>) offsets(%dma_start3A_130 : memref<128xi32, #tpu.memory_space<vmem>>) semaphore(%arg16 : memref<!tpu.dma_semaphore, #tpu.memory_space<semaphore_mem>>)
    %dma_start3A_134 = arith.constant 3 : i32
    %dma_start3A_135 = arith.constant 3 : i32
    %dma_start3A_136 = arith.constant 0 : i32
    %dma_start3A_137 = arith.constant 0 : i32
    %dma_start3A_138 = tpu.memref_slice %arg15[%dma_start3A_135, %dma_start3A_136, %dma_start3A_137] : memref<4x128x16xf32, #tpu.memory_space<vmem>> -> memref<1x128x16xf32, #tpu.memory_space<vmem>>
    %dma_start3A_139 = tpu.memref_squeeze %dma_start3A_138 : memref<1x128x16xf32, #tpu.memory_space<vmem>> -> memref<128x16xf32, #tpu.memory_space<vmem>>
    %dma_start3A_140 = arith.constant 0 : i32
    %dma_start3A_141 = tpu.memref_slice %arg12[%dma_start3A_134, %dma_start3A_140] : memref<4x128xi32, #tpu.memory_space<vmem>> -> memref<1x128xi32, #tpu.memory_space<vmem>>
    %dma_start3A_142 = tpu.memref_squeeze %dma_start3A_141 : memref<1x128xi32, #tpu.memory_space<vmem>> -> memref<128xi32, #tpu.memory_space<vmem>>
    %dma_start3A_143 = arith.constant 0 : i32
    %dma_start3A_144 = arith.constant 0 : i32
    %dma_start3A_145 = tpu.memref_slice %arg6[%dma_start3A_143, %dma_start3A_144] : memref<1000000x16xf32, #tpu.memory_space<hbm>> -> memref<1000000x16xf32, #tpu.memory_space<hbm>>
    tpu.enqueue_indirect_dma source(%dma_start3A_145 : memref<1000000x16xf32, #tpu.memory_space<hbm>>) target(%dma_start3A_139 : memref<128x16xf32, #tpu.memory_space<vmem>>) offsets(%dma_start3A_142 : memref<128xi32, #tpu.memory_space<vmem>>) semaphore(%arg16 : memref<!tpu.dma_semaphore, #tpu.memory_space<semaphore_mem>>)
    %dma_wait3A = arith.constant 0 : i32
    %dma_wait3A_146 = arith.constant 0 : i32
    %dma_wait3A_147 = arith.constant 0 : i32
    %dma_wait3A_148 = arith.constant 0 : i32
    %dma_wait3A_149 = tpu.memref_slice %arg13[%dma_wait3A_146, %dma_wait3A_147, %dma_wait3A_148] : memref<4x128x16xf32, #tpu.memory_space<vmem>> -> memref<1x128x16xf32, #tpu.memory_space<vmem>>
    %dma_wait3A_150 = tpu.memref_squeeze %dma_wait3A_149 : memref<1x128x16xf32, #tpu.memory_space<vmem>> -> memref<128x16xf32, #tpu.memory_space<vmem>>
    %dma_wait3A_151 = arith.constant 0 : i32
    %dma_wait3A_152 = tpu.memref_slice %arg10[%dma_wait3A, %dma_wait3A_151] : memref<4x128xi32, #tpu.memory_space<vmem>> -> memref<1x128xi32, #tpu.memory_space<vmem>>
    %dma_wait3A_153 = tpu.memref_squeeze %dma_wait3A_152 : memref<1x128xi32, #tpu.memory_space<vmem>> -> memref<128xi32, #tpu.memory_space<vmem>>
    %dma_wait3A_154 = arith.constant 0 : i32
    %dma_wait3A_155 = arith.constant 0 : i32
    %dma_wait3A_156 = tpu.memref_slice %arg5[%dma_wait3A_154, %dma_wait3A_155] : memref<1000000x16xf32, #tpu.memory_space<hbm>> -> memref<1000000x16xf32, #tpu.memory_space<hbm>>
    tpu.wait_indirect_dma semaphore(%arg16 : memref<!tpu.dma_semaphore, #tpu.memory_space<semaphore_mem>>) src(%dma_wait3A_156 : memref<1000000x16xf32, #tpu.memory_space<hbm>>) dst(%dma_wait3A_150 : memref<128x16xf32, #tpu.memory_space<vmem>>)
    %dma_wait3A_157 = arith.constant 0 : i32
    %dma_wait3A_158 = arith.constant 0 : i32
    %dma_wait3A_159 = arith.constant 0 : i32
    %dma_wait3A_160 = arith.constant 0 : i32
    %dma_wait3A_161 = tpu.memref_slice %arg14[%dma_wait3A_158, %dma_wait3A_159, %dma_wait3A_160] : memref<4x128x16xf32, #tpu.memory_space<vmem>> -> memref<1x128x16xf32, #tpu.memory_space<vmem>>
    %dma_wait3A_162 = tpu.memref_squeeze %dma_wait3A_161 : memref<1x128x16xf32, #tpu.memory_space<vmem>> -> memref<128x16xf32, #tpu.memory_space<vmem>>
    %dma_wait3A_163 = arith.constant 0 : i32
    %dma_wait3A_164 = tpu.memref_slice %arg11[%dma_wait3A_157, %dma_wait3A_163] : memref<4x128xi32, #tpu.memory_space<vmem>> -> memref<1x128xi32, #tpu.memory_space<vmem>>
    %dma_wait3A_165 = tpu.memref_squeeze %dma_wait3A_164 : memref<1x128xi32, #tpu.memory_space<vmem>> -> memref<128xi32, #tpu.memory_space<vmem>>
    %dma_wait3A_166 = arith.constant 0 : i32
    %dma_wait3A_167 = arith.constant 0 : i32
    %dma_wait3A_168 = tpu.memref_slice %arg6[%dma_wait3A_166, %dma_wait3A_167] : memref<1000000x16xf32, #tpu.memory_space<hbm>> -> memref<1000000x16xf32, #tpu.memory_space<hbm>>
    tpu.wait_indirect_dma semaphore(%arg16 : memref<!tpu.dma_semaphore, #tpu.memory_space<semaphore_mem>>) src(%dma_wait3A_168 : memref<1000000x16xf32, #tpu.memory_space<hbm>>) dst(%dma_wait3A_162 : memref<128x16xf32, #tpu.memory_space<vmem>>)
    %dma_wait3A_169 = arith.constant 0 : i32
    %dma_wait3A_170 = arith.constant 0 : i32
    %dma_wait3A_171 = arith.constant 0 : i32
    %dma_wait3A_172 = arith.constant 0 : i32
    %dma_wait3A_173 = tpu.memref_slice %arg15[%dma_wait3A_170, %dma_wait3A_171, %dma_wait3A_172] : memref<4x128x16xf32, #tpu.memory_space<vmem>> -> memref<1x128x16xf32, #tpu.memory_space<vmem>>
    %dma_wait3A_174 = tpu.memref_squeeze %dma_wait3A_173 : memref<1x128x16xf32, #tpu.memory_space<vmem>> -> memref<128x16xf32, #tpu.memory_space<vmem>>
    %dma_wait3A_175 = arith.constant 0 : i32
    %dma_wait3A_176 = tpu.memref_slice %arg12[%dma_wait3A_169, %dma_wait3A_175] : memref<4x128xi32, #tpu.memory_space<vmem>> -> memref<1x128xi32, #tpu.memory_space<vmem>>
    %dma_wait3A_177 = tpu.memref_squeeze %dma_wait3A_176 : memref<1x128xi32, #tpu.memory_space<vmem>> -> memref<128xi32, #tpu.memory_space<vmem>>
    %dma_wait3A_178 = arith.constant 0 : i32
    %dma_wait3A_179 = arith.constant 0 : i32
    %dma_wait3A_180 = tpu.memref_slice %arg6[%dma_wait3A_178, %dma_wait3A_179] : memref<1000000x16xf32, #tpu.memory_space<hbm>> -> memref<1000000x16xf32, #tpu.memory_space<hbm>>
    tpu.wait_indirect_dma semaphore(%arg16 : memref<!tpu.dma_semaphore, #tpu.memory_space<semaphore_mem>>) src(%dma_wait3A_180 : memref<1000000x16xf32, #tpu.memory_space<hbm>>) dst(%dma_wait3A_174 : memref<128x16xf32, #tpu.memory_space<vmem>>)
    %dma_wait3A_181 = arith.constant 1 : i32
    %dma_wait3A_182 = arith.constant 1 : i32
    %dma_wait3A_183 = arith.constant 0 : i32
    %dma_wait3A_184 = arith.constant 0 : i32
    %dma_wait3A_185 = tpu.memref_slice %arg13[%dma_wait3A_182, %dma_wait3A_183, %dma_wait3A_184] : memref<4x128x16xf32, #tpu.memory_space<vmem>> -> memref<1x128x16xf32, #tpu.memory_space<vmem>>
    %dma_wait3A_186 = tpu.memref_squeeze %dma_wait3A_185 : memref<1x128x16xf32, #tpu.memory_space<vmem>> -> memref<128x16xf32, #tpu.memory_space<vmem>>
    %dma_wait3A_187 = arith.constant 0 : i32
    %dma_wait3A_188 = tpu.memref_slice %arg10[%dma_wait3A_181, %dma_wait3A_187] : memref<4x128xi32, #tpu.memory_space<vmem>> -> memref<1x128xi32, #tpu.memory_space<vmem>>
    %dma_wait3A_189 = tpu.memref_squeeze %dma_wait3A_188 : memref<1x128xi32, #tpu.memory_space<vmem>> -> memref<128xi32, #tpu.memory_space<vmem>>
    %dma_wait3A_190 = arith.constant 0 : i32
    %dma_wait3A_191 = arith.constant 0 : i32
    %dma_wait3A_192 = tpu.memref_slice %arg5[%dma_wait3A_190, %dma_wait3A_191] : memref<1000000x16xf32, #tpu.memory_space<hbm>> -> memref<1000000x16xf32, #tpu.memory_space<hbm>>
    tpu.wait_indirect_dma semaphore(%arg16 : memref<!tpu.dma_semaphore, #tpu.memory_space<semaphore_mem>>) src(%dma_wait3A_192 : memref<1000000x16xf32, #tpu.memory_space<hbm>>) dst(%dma_wait3A_186 : memref<128x16xf32, #tpu.memory_space<vmem>>)
    %dma_wait3A_193 = arith.constant 1 : i32
    %dma_wait3A_194 = arith.constant 1 : i32
    %dma_wait3A_195 = arith.constant 0 : i32
    %dma_wait3A_196 = arith.constant 0 : i32
    %dma_wait3A_197 = tpu.memref_slice %arg14[%dma_wait3A_194, %dma_wait3A_195, %dma_wait3A_196] : memref<4x128x16xf32, #tpu.memory_space<vmem>> -> memref<1x128x16xf32, #tpu.memory_space<vmem>>
    %dma_wait3A_198 = tpu.memref_squeeze %dma_wait3A_197 : memref<1x128x16xf32, #tpu.memory_space<vmem>> -> memref<128x16xf32, #tpu.memory_space<vmem>>
    %dma_wait3A_199 = arith.constant 0 : i32
    %dma_wait3A_200 = tpu.memref_slice %arg11[%dma_wait3A_193, %dma_wait3A_199] : memref<4x128xi32, #tpu.memory_space<vmem>> -> memref<1x128xi32, #tpu.memory_space<vmem>>
    %dma_wait3A_201 = tpu.memref_squeeze %dma_wait3A_200 : memref<1x128xi32, #tpu.memory_space<vmem>> -> memref<128xi32, #tpu.memory_space<vmem>>
    %dma_wait3A_202 = arith.constant 0 : i32
    %dma_wait3A_203 = arith.constant 0 : i32
    %dma_wait3A_204 = tpu.memref_slice %arg6[%dma_wait3A_202, %dma_wait3A_203] : memref<1000000x16xf32, #tpu.memory_space<hbm>> -> memref<1000000x16xf32, #tpu.memory_space<hbm>>
    tpu.wait_indirect_dma semaphore(%arg16 : memref<!tpu.dma_semaphore, #tpu.memory_space<semaphore_mem>>) src(%dma_wait3A_204 : memref<1000000x16xf32, #tpu.memory_space<hbm>>) dst(%dma_wait3A_198 : memref<128x16xf32, #tpu.memory_space<vmem>>)
    %dma_wait3A_205 = arith.constant 1 : i32
    %dma_wait3A_206 = arith.constant 1 : i32
    %dma_wait3A_207 = arith.constant 0 : i32
    %dma_wait3A_208 = arith.constant 0 : i32
    %dma_wait3A_209 = tpu.memref_slice %arg15[%dma_wait3A_206, %dma_wait3A_207, %dma_wait3A_208] : memref<4x128x16xf32, #tpu.memory_space<vmem>> -> memref<1x128x16xf32, #tpu.memory_space<vmem>>
    %dma_wait3A_210 = tpu.memref_squeeze %dma_wait3A_209 : memref<1x128x16xf32, #tpu.memory_space<vmem>> -> memref<128x16xf32, #tpu.memory_space<vmem>>
    %dma_wait3A_211 = arith.constant 0 : i32
    %dma_wait3A_212 = tpu.memref_slice %arg12[%dma_wait3A_205, %dma_wait3A_211] : memref<4x128xi32, #tpu.memory_space<vmem>> -> memref<1x128xi32, #tpu.memory_space<vmem>>
    %dma_wait3A_213 = tpu.memref_squeeze %dma_wait3A_212 : memref<1x128xi32, #tpu.memory_space<vmem>> -> memref<128xi32, #tpu.memory_space<vmem>>
    %dma_wait3A_214 = arith.constant 0 : i32
    %dma_wait3A_215 = arith.constant 0 : i32
    %dma_wait3A_216 = tpu.memref_slice %arg6[%dma_wait3A_214, %dma_wait3A_215] : memref<1000000x16xf32, #tpu.memory_space<hbm>> -> memref<1000000x16xf32, #tpu.memory_space<hbm>>
    tpu.wait_indirect_dma semaphore(%arg16 : memref<!tpu.dma_semaphore, #tpu.memory_space<semaphore_mem>>) src(%dma_wait3A_216 : memref<1000000x16xf32, #tpu.memory_space<hbm>>) dst(%dma_wait3A_210 : memref<128x16xf32, #tpu.memory_space<vmem>>)
    %dma_wait3A_217 = arith.constant 2 : i32
    %dma_wait3A_218 = arith.constant 2 : i32
    %dma_wait3A_219 = arith.constant 0 : i32
    %dma_wait3A_220 = arith.constant 0 : i32
    %dma_wait3A_221 = tpu.memref_slice %arg13[%dma_wait3A_218, %dma_wait3A_219, %dma_wait3A_220] : memref<4x128x16xf32, #tpu.memory_space<vmem>> -> memref<1x128x16xf32, #tpu.memory_space<vmem>>
    %dma_wait3A_222 = tpu.memref_squeeze %dma_wait3A_221 : memref<1x128x16xf32, #tpu.memory_space<vmem>> -> memref<128x16xf32, #tpu.memory_space<vmem>>
    %dma_wait3A_223 = arith.constant 0 : i32
    %dma_wait3A_224 = tpu.memref_slice %arg10[%dma_wait3A_217, %dma_wait3A_223] : memref<4x128xi32, #tpu.memory_space<vmem>> -> memref<1x128xi32, #tpu.memory_space<vmem>>
    %dma_wait3A_225 = tpu.memref_squeeze %dma_wait3A_224 : memref<1x128xi32, #tpu.memory_space<vmem>> -> memref<128xi32, #tpu.memory_space<vmem>>
    %dma_wait3A_226 = arith.constant 0 : i32
    %dma_wait3A_227 = arith.constant 0 : i32
    %dma_wait3A_228 = tpu.memref_slice %arg5[%dma_wait3A_226, %dma_wait3A_227] : memref<1000000x16xf32, #tpu.memory_space<hbm>> -> memref<1000000x16xf32, #tpu.memory_space<hbm>>
    tpu.wait_indirect_dma semaphore(%arg16 : memref<!tpu.dma_semaphore, #tpu.memory_space<semaphore_mem>>) src(%dma_wait3A_228 : memref<1000000x16xf32, #tpu.memory_space<hbm>>) dst(%dma_wait3A_222 : memref<128x16xf32, #tpu.memory_space<vmem>>)
    %dma_wait3A_229 = arith.constant 2 : i32
    %dma_wait3A_230 = arith.constant 2 : i32
    %dma_wait3A_231 = arith.constant 0 : i32
    %dma_wait3A_232 = arith.constant 0 : i32
    %dma_wait3A_233 = tpu.memref_slice %arg14[%dma_wait3A_230, %dma_wait3A_231, %dma_wait3A_232] : memref<4x128x16xf32, #tpu.memory_space<vmem>> -> memref<1x128x16xf32, #tpu.memory_space<vmem>>
    %dma_wait3A_234 = tpu.memref_squeeze %dma_wait3A_233 : memref<1x128x16xf32, #tpu.memory_space<vmem>> -> memref<128x16xf32, #tpu.memory_space<vmem>>
    %dma_wait3A_235 = arith.constant 0 : i32
    %dma_wait3A_236 = tpu.memref_slice %arg11[%dma_wait3A_229, %dma_wait3A_235] : memref<4x128xi32, #tpu.memory_space<vmem>> -> memref<1x128xi32, #tpu.memory_space<vmem>>
    %dma_wait3A_237 = tpu.memref_squeeze %dma_wait3A_236 : memref<1x128xi32, #tpu.memory_space<vmem>> -> memref<128xi32, #tpu.memory_space<vmem>>
    %dma_wait3A_238 = arith.constant 0 : i32
    %dma_wait3A_239 = arith.constant 0 : i32
    %dma_wait3A_240 = tpu.memref_slice %arg6[%dma_wait3A_238, %dma_wait3A_239] : memref<1000000x16xf32, #tpu.memory_space<hbm>> -> memref<1000000x16xf32, #tpu.memory_space<hbm>>
    tpu.wait_indirect_dma semaphore(%arg16 : memref<!tpu.dma_semaphore, #tpu.memory_space<semaphore_mem>>) src(%dma_wait3A_240 : memref<1000000x16xf32, #tpu.memory_space<hbm>>) dst(%dma_wait3A_234 : memref<128x16xf32, #tpu.memory_space<vmem>>)
    %dma_wait3A_241 = arith.constant 2 : i32
    %dma_wait3A_242 = arith.constant 2 : i32
    %dma_wait3A_243 = arith.constant 0 : i32
    %dma_wait3A_244 = arith.constant 0 : i32
    %dma_wait3A_245 = tpu.memref_slice %arg15[%dma_wait3A_242, %dma_wait3A_243, %dma_wait3A_244] : memref<4x128x16xf32, #tpu.memory_space<vmem>> -> memref<1x128x16xf32, #tpu.memory_space<vmem>>
    %dma_wait3A_246 = tpu.memref_squeeze %dma_wait3A_245 : memref<1x128x16xf32, #tpu.memory_space<vmem>> -> memref<128x16xf32, #tpu.memory_space<vmem>>
    %dma_wait3A_247 = arith.constant 0 : i32
    %dma_wait3A_248 = tpu.memref_slice %arg12[%dma_wait3A_241, %dma_wait3A_247] : memref<4x128xi32, #tpu.memory_space<vmem>> -> memref<1x128xi32, #tpu.memory_space<vmem>>
    %dma_wait3A_249 = tpu.memref_squeeze %dma_wait3A_248 : memref<1x128xi32, #tpu.memory_space<vmem>> -> memref<128xi32, #tpu.memory_space<vmem>>
    %dma_wait3A_250 = arith.constant 0 : i32
    %dma_wait3A_251 = arith.constant 0 : i32
    %dma_wait3A_252 = tpu.memref_slice %arg6[%dma_wait3A_250, %dma_wait3A_251] : memref<1000000x16xf32, #tpu.memory_space<hbm>> -> memref<1000000x16xf32, #tpu.memory_space<hbm>>
    tpu.wait_indirect_dma semaphore(%arg16 : memref<!tpu.dma_semaphore, #tpu.memory_space<semaphore_mem>>) src(%dma_wait3A_252 : memref<1000000x16xf32, #tpu.memory_space<hbm>>) dst(%dma_wait3A_246 : memref<128x16xf32, #tpu.memory_space<vmem>>)
    %dma_wait3A_253 = arith.constant 3 : i32
    %dma_wait3A_254 = arith.constant 3 : i32
    %dma_wait3A_255 = arith.constant 0 : i32
    %dma_wait3A_256 = arith.constant 0 : i32
    %dma_wait3A_257 = tpu.memref_slice %arg13[%dma_wait3A_254, %dma_wait3A_255, %dma_wait3A_256] : memref<4x128x16xf32, #tpu.memory_space<vmem>> -> memref<1x128x16xf32, #tpu.memory_space<vmem>>
    %dma_wait3A_258 = tpu.memref_squeeze %dma_wait3A_257 : memref<1x128x16xf32, #tpu.memory_space<vmem>> -> memref<128x16xf32, #tpu.memory_space<vmem>>
    %dma_wait3A_259 = arith.constant 0 : i32
    %dma_wait3A_260 = tpu.memref_slice %arg10[%dma_wait3A_253, %dma_wait3A_259] : memref<4x128xi32, #tpu.memory_space<vmem>> -> memref<1x128xi32, #tpu.memory_space<vmem>>
    %dma_wait3A_261 = tpu.memref_squeeze %dma_wait3A_260 : memref<1x128xi32, #tpu.memory_space<vmem>> -> memref<128xi32, #tpu.memory_space<vmem>>
    %dma_wait3A_262 = arith.constant 0 : i32
    %dma_wait3A_263 = arith.constant 0 : i32
    %dma_wait3A_264 = tpu.memref_slice %arg5[%dma_wait3A_262, %dma_wait3A_263] : memref<1000000x16xf32, #tpu.memory_space<hbm>> -> memref<1000000x16xf32, #tpu.memory_space<hbm>>
    tpu.wait_indirect_dma semaphore(%arg16 : memref<!tpu.dma_semaphore, #tpu.memory_space<semaphore_mem>>) src(%dma_wait3A_264 : memref<1000000x16xf32, #tpu.memory_space<hbm>>) dst(%dma_wait3A_258 : memref<128x16xf32, #tpu.memory_space<vmem>>)
    %dma_wait3A_265 = arith.constant 3 : i32
    %dma_wait3A_266 = arith.constant 3 : i32
    %dma_wait3A_267 = arith.constant 0 : i32
    %dma_wait3A_268 = arith.constant 0 : i32
    %dma_wait3A_269 = tpu.memref_slice %arg14[%dma_wait3A_266, %dma_wait3A_267, %dma_wait3A_268] : memref<4x128x16xf32, #tpu.memory_space<vmem>> -> memref<1x128x16xf32, #tpu.memory_space<vmem>>
    %dma_wait3A_270 = tpu.memref_squeeze %dma_wait3A_269 : memref<1x128x16xf32, #tpu.memory_space<vmem>> -> memref<128x16xf32, #tpu.memory_space<vmem>>
    %dma_wait3A_271 = arith.constant 0 : i32
    %dma_wait3A_272 = tpu.memref_slice %arg11[%dma_wait3A_265, %dma_wait3A_271] : memref<4x128xi32, #tpu.memory_space<vmem>> -> memref<1x128xi32, #tpu.memory_space<vmem>>
    %dma_wait3A_273 = tpu.memref_squeeze %dma_wait3A_272 : memref<1x128xi32, #tpu.memory_space<vmem>> -> memref<128xi32, #tpu.memory_space<vmem>>
    %dma_wait3A_274 = arith.constant 0 : i32
    %dma_wait3A_275 = arith.constant 0 : i32
    %dma_wait3A_276 = tpu.memref_slice %arg6[%dma_wait3A_274, %dma_wait3A_275] : memref<1000000x16xf32, #tpu.memory_space<hbm>> -> memref<1000000x16xf32, #tpu.memory_space<hbm>>
    tpu.wait_indirect_dma semaphore(%arg16 : memref<!tpu.dma_semaphore, #tpu.memory_space<semaphore_mem>>) src(%dma_wait3A_276 : memref<1000000x16xf32, #tpu.memory_space<hbm>>) dst(%dma_wait3A_270 : memref<128x16xf32, #tpu.memory_space<vmem>>)
    %dma_wait3A_277 = arith.constant 3 : i32
    %dma_wait3A_278 = arith.constant 3 : i32
    %dma_wait3A_279 = arith.constant 0 : i32
    %dma_wait3A_280 = arith.constant 0 : i32
    %dma_wait3A_281 = tpu.memref_slice %arg15[%dma_wait3A_278, %dma_wait3A_279, %dma_wait3A_280] : memref<4x128x16xf32, #tpu.memory_space<vmem>> -> memref<1x128x16xf32, #tpu.memory_space<vmem>>
    %dma_wait3A_282 = tpu.memref_squeeze %dma_wait3A_281 : memref<1x128x16xf32, #tpu.memory_space<vmem>> -> memref<128x16xf32, #tpu.memory_space<vmem>>
    %dma_wait3A_283 = arith.constant 0 : i32
    %dma_wait3A_284 = tpu.memref_slice %arg12[%dma_wait3A_277, %dma_wait3A_283] : memref<4x128xi32, #tpu.memory_space<vmem>> -> memref<1x128xi32, #tpu.memory_space<vmem>>
    %dma_wait3A_285 = tpu.memref_squeeze %dma_wait3A_284 : memref<1x128xi32, #tpu.memory_space<vmem>> -> memref<128xi32, #tpu.memory_space<vmem>>
    %dma_wait3A_286 = arith.constant 0 : i32
    %dma_wait3A_287 = arith.constant 0 : i32
    %dma_wait3A_288 = tpu.memref_slice %arg6[%dma_wait3A_286, %dma_wait3A_287] : memref<1000000x16xf32, #tpu.memory_space<hbm>> -> memref<1000000x16xf32, #tpu.memory_space<hbm>>
    tpu.wait_indirect_dma semaphore(%arg16 : memref<!tpu.dma_semaphore, #tpu.memory_space<semaphore_mem>>) src(%dma_wait3A_288 : memref<1000000x16xf32, #tpu.memory_space<hbm>>) dst(%dma_wait3A_282 : memref<128x16xf32, #tpu.memory_space<vmem>>)
    "tpu.region"() ({
      %run_scoped3A = tpu.sem_alloc : memref<!tpu.dma_semaphore, #tpu.memory_space<semaphore_mem>>
      %dma_start3A_289 = arith.constant 0 : i32
      %dma_start3A_290 = arith.constant 0 : i32
      %dma_start3A_291 = tpu.memref_slice %arg7[%mul3A_2, %dma_start3A_289, %dma_start3A_290] : memref<128x128x16xf32, #tpu.memory_space<hbm>> -> memref<4x128x16xf32, #tpu.memory_space<hbm>>
      %dma_start3A_292 = arith.constant 0 : i32
      %dma_start3A_293 = arith.constant 0 : i32
      %dma_start3A_294 = tpu.memref_slice %arg7[%mul3A_2, %dma_start3A_292, %dma_start3A_293] : memref<128x128x16xf32, #tpu.memory_space<hbm>> -> memref<4x128x16xf32, #tpu.memory_space<hbm>>
      tpu.enqueue_dma source(%arg13 : memref<4x128x16xf32, #tpu.memory_space<vmem>>) target(%dma_start3A_294 : memref<4x128x16xf32, #tpu.memory_space<hbm>>) target_semaphore(%run_scoped3A : memref<!tpu.dma_semaphore, #tpu.memory_space<semaphore_mem>>)
      %dma_wait3A_295 = arith.constant 0 : i32
      %dma_wait3A_296 = arith.constant 0 : i32
      %dma_wait3A_297 = tpu.memref_slice %arg7[%mul3A_2, %dma_wait3A_295, %dma_wait3A_296] : memref<128x128x16xf32, #tpu.memory_space<hbm>> -> memref<4x128x16xf32, #tpu.memory_space<hbm>>
      %dma_wait3A_298 = arith.constant 0 : i32
      %dma_wait3A_299 = arith.constant 0 : i32
      %dma_wait3A_300 = tpu.memref_slice %arg7[%mul3A_2, %dma_wait3A_298, %dma_wait3A_299] : memref<128x128x16xf32, #tpu.memory_space<hbm>> -> memref<4x128x16xf32, #tpu.memory_space<hbm>>
      tpu.wait_dma2 semaphore(%run_scoped3A : memref<!tpu.dma_semaphore, #tpu.memory_space<semaphore_mem>>) src(%arg13 : memref<4x128x16xf32, #tpu.memory_space<vmem>>) dst(%dma_wait3A_300 : memref<4x128x16xf32, #tpu.memory_space<hbm>>)
      tpu.yield
    }) : () -> ()
    "tpu.region"() ({
      %run_scoped3A = tpu.sem_alloc : memref<!tpu.dma_semaphore, #tpu.memory_space<semaphore_mem>>
      %dma_start3A_289 = arith.constant 0 : i32
      %dma_start3A_290 = arith.constant 0 : i32
      %dma_start3A_291 = tpu.memref_slice %arg8[%mul3A_2, %dma_start3A_289, %dma_start3A_290] : memref<128x128x16xf32, #tpu.memory_space<hbm>> -> memref<4x128x16xf32, #tpu.memory_space<hbm>>
      %dma_start3A_292 = arith.constant 0 : i32
      %dma_start3A_293 = arith.constant 0 : i32
      %dma_start3A_294 = tpu.memref_slice %arg8[%mul3A_2, %dma_start3A_292, %dma_start3A_293] : memref<128x128x16xf32, #tpu.memory_space<hbm>> -> memref<4x128x16xf32, #tpu.memory_space<hbm>>
      tpu.enqueue_dma source(%arg14 : memref<4x128x16xf32, #tpu.memory_space<vmem>>) target(%dma_start3A_294 : memref<4x128x16xf32, #tpu.memory_space<hbm>>) target_semaphore(%run_scoped3A : memref<!tpu.dma_semaphore, #tpu.memory_space<semaphore_mem>>)
      %dma_wait3A_295 = arith.constant 0 : i32
      %dma_wait3A_296 = arith.constant 0 : i32
      %dma_wait3A_297 = tpu.memref_slice %arg8[%mul3A_2, %dma_wait3A_295, %dma_wait3A_296] : memref<128x128x16xf32, #tpu.memory_space<hbm>> -> memref<4x128x16xf32, #tpu.memory_space<hbm>>
      %dma_wait3A_298 = arith.constant 0 : i32
      %dma_wait3A_299 = arith.constant 0 : i32
      %dma_wait3A_300 = tpu.memref_slice %arg8[%mul3A_2, %dma_wait3A_298, %dma_wait3A_299] : memref<128x128x16xf32, #tpu.memory_space<hbm>> -> memref<4x128x16xf32, #tpu.memory_space<hbm>>
      tpu.wait_dma2 semaphore(%run_scoped3A : memref<!tpu.dma_semaphore, #tpu.memory_space<semaphore_mem>>) src(%arg14 : memref<4x128x16xf32, #tpu.memory_space<vmem>>) dst(%dma_wait3A_300 : memref<4x128x16xf32, #tpu.memory_space<hbm>>)
      tpu.yield
    }) : () -> ()
    "tpu.region"() ({
      %run_scoped3A = tpu.sem_alloc : memref<!tpu.dma_semaphore, #tpu.memory_space<semaphore_mem>>
      %dma_start3A_289 = arith.constant 0 : i32
      %dma_start3A_290 = arith.constant 0 : i32
      %dma_start3A_291 = tpu.memref_slice %arg9[%mul3A_2, %dma_start3A_289, %dma_start3A_290] : memref<128x128x16xf32, #tpu.memory_space<hbm>> -> memref<4x128x16xf32, #tpu.memory_space<hbm>>
      %dma_start3A_292 = arith.constant 0 : i32
      %dma_start3A_293 = arith.constant 0 : i32
      %dma_start3A_294 = tpu.memref_slice %arg9[%mul3A_2, %dma_start3A_292, %dma_start3A_293] : memref<128x128x16xf32, #tpu.memory_space<hbm>> -> memref<4x128x16xf32, #tpu.memory_space<hbm>>
      tpu.enqueue_dma source(%arg15 : memref<4x128x16xf32, #tpu.memory_space<vmem>>) target(%dma_start3A_294 : memref<4x128x16xf32, #tpu.memory_space<hbm>>) target_semaphore(%run_scoped3A : memref<!tpu.dma_semaphore, #tpu.memory_space<semaphore_mem>>)
      %dma_wait3A_295 = arith.constant 0 : i32
      %dma_wait3A_296 = arith.constant 0 : i32
      %dma_wait3A_297 = tpu.memref_slice %arg9[%mul3A_2, %dma_wait3A_295, %dma_wait3A_296] : memref<128x128x16xf32, #tpu.memory_space<hbm>> -> memref<4x128x16xf32, #tpu.memory_space<hbm>>
      %dma_wait3A_298 = arith.constant 0 : i32
      %dma_wait3A_299 = arith.constant 0 : i32
      %dma_wait3A_300 = tpu.memref_slice %arg9[%mul3A_2, %dma_wait3A_298, %dma_wait3A_299] : memref<128x128x16xf32, #tpu.memory_space<hbm>> -> memref<4x128x16xf32, #tpu.memory_space<hbm>>
      tpu.wait_dma2 semaphore(%run_scoped3A : memref<!tpu.dma_semaphore, #tpu.memory_space<semaphore_mem>>) src(%arg15 : memref<4x128x16xf32, #tpu.memory_space<vmem>>) dst(%dma_wait3A_300 : memref<4x128x16xf32, #tpu.memory_space<hbm>>)
      tpu.yield
    }) : () -> ()
    return
  }
}

module attributes {stable_mosaic.version = 14 : i64} {
  func.func @_tc_loss(%arg0: memref<2048x128xf32, #tpu.memory_space<vmem>>, %arg1: memref<2048x128xf32, #tpu.memory_space<vmem>>, %arg2: memref<2048x128xf32, #tpu.memory_space<vmem>>, %arg3: memref<1x1xf32, #tpu.memory_space<vmem>>, %arg4: memref<1x1xf32, #tpu.memory_space<vmem>>) attributes {dimension_semantics = [], scalar_prefetch = 0 : i64, scratch_operands = 0 : i64, tpu.core_type = #tpu.core_type<tc>} {
    %get3A = arith.constant 0 : index
    %get3A_0 = arith.constant 0 : index
    %get3A_1 = vector.load %arg0[%get3A, %get3A_0] : memref<2048x128xf32, #tpu.memory_space<vmem>>, vector<2048x128xf32>
    %get3A_2 = arith.constant 0 : index
    %get3A_3 = arith.constant 0 : index
    %get3A_4 = vector.load %arg1[%get3A_2, %get3A_3] : memref<2048x128xf32, #tpu.memory_space<vmem>>, vector<2048x128xf32>
    %get3A_5 = arith.constant 0 : index
    %get3A_6 = arith.constant 0 : index
    %get3A_7 = vector.load %arg2[%get3A_5, %get3A_6] : memref<2048x128xf32, #tpu.memory_space<vmem>>, vector<2048x128xf32>
    %mul3A = arith.mulf %get3A_1, %get3A_1 : vector<2048x128xf32>
    %reduce_sum3A = vector.shape_cast %mul3A : vector<2048x128xf32> to vector<1x2048x128xf32>
    %reduce_sum3A_8 = arith.constant dense<0.000000e+00> : vector<1xf32>
    %reduce_sum3A_9 = vector.multi_reduction <add>, %reduce_sum3A, %reduce_sum3A_8 [1, 2] : vector<1x2048x128xf32> to vector<1xf32>
    %reduce_sum3A_10 = vector.shape_cast %reduce_sum3A_9 : vector<1xf32> to vector<1x1x1xf32>
    %reduce_sum3A_11 = vector.extract %reduce_sum3A_10[0, 0, 0] : f32 from vector<1x1x1xf32>
    %mul3A_12 = arith.mulf %get3A_4, %get3A_4 : vector<2048x128xf32>
    %reduce_sum3A_13 = vector.shape_cast %mul3A_12 : vector<2048x128xf32> to vector<1x2048x128xf32>
    %reduce_sum3A_14 = arith.constant dense<0.000000e+00> : vector<1xf32>
    %reduce_sum3A_15 = vector.multi_reduction <add>, %reduce_sum3A_13, %reduce_sum3A_14 [1, 2] : vector<1x2048x128xf32> to vector<1xf32>
    %reduce_sum3A_16 = vector.shape_cast %reduce_sum3A_15 : vector<1xf32> to vector<1x1x1xf32>
    %reduce_sum3A_17 = vector.extract %reduce_sum3A_16[0, 0, 0] : f32 from vector<1x1x1xf32>
    %add3A = arith.addf %reduce_sum3A_11, %reduce_sum3A_17 : f32
    %mul3A_18 = arith.mulf %get3A_7, %get3A_7 : vector<2048x128xf32>
    %reduce_sum3A_19 = vector.shape_cast %mul3A_18 : vector<2048x128xf32> to vector<1x2048x128xf32>
    %reduce_sum3A_20 = arith.constant dense<0.000000e+00> : vector<1xf32>
    %reduce_sum3A_21 = vector.multi_reduction <add>, %reduce_sum3A_19, %reduce_sum3A_20 [1, 2] : vector<1x2048x128xf32> to vector<1xf32>
    %reduce_sum3A_22 = vector.shape_cast %reduce_sum3A_21 : vector<1xf32> to vector<1x1x1xf32>
    %reduce_sum3A_23 = vector.extract %reduce_sum3A_22[0, 0, 0] : f32 from vector<1x1x1xf32>
    %add3A_24 = arith.addf %add3A, %reduce_sum3A_23 : f32
    %sub3A = arith.subf %get3A_4, %get3A_7 : vector<2048x128xf32>
    %mul3A_25 = arith.mulf %sub3A, %get3A_1 : vector<2048x128xf32>
    %iota3A = tpu.iota {dimensions = array<i32: 0>} : vector<128x8xi32>
    %iota3A_26 = tpu.iota {dimensions = array<i32: 1>} : vector<128x8xi32>
    %jit3A = arith.constant 16 : i32
    %div3A = vector.broadcast %jit3A : i32 to vector<128x8xi32>
    %div3A_27 = arith.divsi %iota3A, %div3A : vector<128x8xi32>
    %sign3A = arith.constant 0 : i32
    %sign3A_28 = vector.broadcast %sign3A : i32 to vector<128x8xi32>
    %sign3A_29 = arith.cmpi sgt, %iota3A, %sign3A_28 : vector<128x8xi32>
    %sign3A_30 = arith.extui %sign3A_29 : vector<128x8xi1> to vector<128x8xi32>
    %sign3A_31 = arith.constant 0 : i32
    %sign3A_32 = vector.broadcast %sign3A_31 : i32 to vector<128x8xi32>
    %sign3A_33 = arith.cmpi slt, %iota3A, %sign3A_32 : vector<128x8xi32>
    %sign3A_34 = arith.extui %sign3A_33 : vector<128x8xi1> to vector<128x8xi32>
    %sign3A_35 = arith.subi %sign3A_30, %sign3A_34 : vector<128x8xi32>
    %sign3A_36 = arith.constant 0 : i32
    %sign3A_37 = arith.cmpi sgt, %jit3A, %sign3A_36 : i32
    %sign3A_38 = arith.extui %sign3A_37 : i1 to i32
    %sign3A_39 = arith.constant 0 : i32
    %sign3A_40 = arith.cmpi slt, %jit3A, %sign3A_39 : i32
    %sign3A_41 = arith.extui %sign3A_40 : i1 to i32
    %sign3A_42 = arith.subi %sign3A_38, %sign3A_41 : i32
    %ne3A = vector.broadcast %sign3A_42 : i32 to vector<128x8xi32>
    %ne3A_43 = arith.cmpi ne, %sign3A_35, %ne3A : vector<128x8xi32>
    %rem3A = vector.broadcast %jit3A : i32 to vector<128x8xi32>
    %rem3A_44 = arith.remsi %iota3A, %rem3A : vector<128x8xi32>
    %ne3A_45 = arith.constant 0 : i32
    %ne3A_46 = vector.broadcast %ne3A_45 : i32 to vector<128x8xi32>
    %ne3A_47 = arith.cmpi ne, %rem3A_44, %ne3A_46 : vector<128x8xi32>
    %and3A = arith.andi %ne3A_43, %ne3A_47 : vector<128x8xi1>
    %sub3A_48 = arith.constant 1 : i32
    %sub3A_49 = vector.broadcast %sub3A_48 : i32 to vector<128x8xi32>
    %sub3A_50 = arith.subi %div3A_27, %sub3A_49 : vector<128x8xi32>
    %select_n3A = arith.select %and3A, %sub3A_50, %div3A_27 : vector<128x8xi1>, vector<128x8xi32>
    %eq3A = arith.cmpi eq, %select_n3A, %iota3A_26 : vector<128x8xi32>
    %jit3A_51 = arith.constant 1.000000e+00 : f32
    %jit3A_52 = arith.constant 0.000000e+00 : f32
    %broadcast_in_dim3A = vector.broadcast %jit3A_51 : f32 to vector<128x8xf32>
    %broadcast_in_dim3A_53 = vector.broadcast %jit3A_52 : f32 to vector<128x8xf32>
    %select_n3A_54 = arith.select %eq3A, %broadcast_in_dim3A, %broadcast_in_dim3A_53 : vector<128x8xi1>, vector<128x8xf32>
    %dot_general3A = arith.constant dense<0.000000e+00> : vector<2048x8xf32>
    %dot_general3A_55 = tpu.matmul %mul3A_25, %select_n3A_54, %dot_general3A {dimension_numbers = #tpu.dot_dimension_numbers<[1], [0], [0], [1], [0, 0, 1, 1], [], []>, precision = #tpu.contract_precision<fp32>, transpose_lhs_hint = false} : vector<2048x128xf32>, vector<128x8xf32>, vector<2048x8xf32> -> vector<2048x8xf32>
    %neg3A = arith.constant 0.000000e+00 : f32
    %neg3A_56 = vector.broadcast %neg3A : f32 to vector<2048x8xf32>
    %neg3A_57 = arith.subf %neg3A_56, %dot_general3A_55 : vector<2048x8xf32>
    %max3A = arith.constant 0.000000e+00 : f32
    %max3A_58 = vector.broadcast %max3A : f32 to vector<2048x8xf32>
    %max3A_59 = arith.maximumf %neg3A_57, %max3A_58 : vector<2048x8xf32>
    %abs3A = math.absf %dot_general3A_55 : vector<2048x8xf32>
    %neg3A_60 = arith.constant 0.000000e+00 : f32
    %neg3A_61 = vector.broadcast %neg3A_60 : f32 to vector<2048x8xf32>
    %neg3A_62 = arith.subf %neg3A_61, %abs3A : vector<2048x8xf32>
    %exp3A = math.exp %neg3A_62 : vector<2048x8xf32>
    %add3A_63 = arith.constant 1.000000e+00 : f32
    %add3A_64 = vector.broadcast %add3A_63 : f32 to vector<2048x8xf32>
    %add3A_65 = arith.addf %add3A_64, %exp3A : vector<2048x8xf32>
    %log3A = math.log %add3A_65 : vector<2048x8xf32>
    %add3A_66 = arith.addf %max3A_59, %log3A : vector<2048x8xf32>
    %reduce_sum3A_67 = vector.shape_cast %add3A_66 : vector<2048x8xf32> to vector<1x2048x8xf32>
    %reduce_sum3A_68 = arith.constant dense<0.000000e+00> : vector<1xf32>
    %reduce_sum3A_69 = vector.multi_reduction <add>, %reduce_sum3A_67, %reduce_sum3A_68 [1, 2] : vector<1x2048x8xf32> to vector<1xf32>
    %reduce_sum3A_70 = vector.shape_cast %reduce_sum3A_69 : vector<1xf32> to vector<1x1x1xf32>
    %reduce_sum3A_71 = vector.extract %reduce_sum3A_70[0, 0, 0] : f32 from vector<1x1x1xf32>
    %div3A_72 = arith.constant 1.638400e+04 : f32
    %div3A_73 = arith.divf %reduce_sum3A_71, %div3A_72 : f32
    %reshape3A = vector.broadcast %div3A_73 : f32 to vector<1x1xf32>
    %swap3A = arith.constant 0 : index
    %swap3A_74 = arith.constant 0 : index
    %swap3A_75 = vector.load %arg3[%swap3A, %swap3A_74] : memref<1x1xf32, #tpu.memory_space<vmem>>, vector<1x1xf32>
    tpu.vector_store %arg3[%swap3A, %swap3A_74], %reshape3A {strides = array<i32>} : memref<1x1xf32, #tpu.memory_space<vmem>>, vector<1x1xf32>,
    %mul3A_76 = arith.constant 5.000000e-06 : f32
    %mul3A_77 = arith.mulf %mul3A_76, %add3A_24 : f32
    %reshape3A_78 = vector.broadcast %mul3A_77 : f32 to vector<1x1xf32>
    %swap3A_79 = arith.constant 0 : index
    %swap3A_80 = arith.constant 0 : index
    %swap3A_81 = vector.load %arg4[%swap3A_79, %swap3A_80] : memref<1x1xf32, #tpu.memory_space<vmem>>, vector<1x1xf32>
    tpu.vector_store %arg4[%swap3A_79, %swap3A_80], %reshape3A_78 {strides = array<i32>} : memref<1x1xf32, #tpu.memory_space<vmem>>, vector<1x1xf32>,
    return
  }
}

</mosaic_0001>

<sc_bundles>
// kernel: kernel.4.cloned.1.call-start
scs
__scs_entry_jumppad:
0x0: {  	(pc) =	sbr.rel $0x88, $3  }
0x1: {  	(tag) =	ssettag $0x0;
	lr =	simm.s32 $0x1  }
0x2: {  	[smem:$0x3F9C] =	sst lr;
	_ =	strace $0xD0000000  }
0x3: {  	_ = 	snop  }
0x4: {  	_ = 	snop  }
0x5: {  	_ = 	snop  }
0x6: {  	_ = 	snop  }
0x7: {  	_ = 	snop  }
__scs_overlays_trampoline_lowered:
0x8: {  	[smem:$0x3FAB] =	sst s0  }
0x9: {  	[smem:$0x3FAC] =	sst s1  }
0xa: {  	[smem:$0x3FAD] =	sst s2  }
0xb: {  	[smem:$0x3FAE] =	sst s3  }
0xc: {  	[smem:$0x3FAF] =	sst s4  }
0xd: {  	[smem:$0x3FB0] =	sst s5  }
0xe: {  	[smem:$0x3FB1] =	sst s6  }
0xf: {  	[smem:$0x3FB2] =	sst s7  }
0x10: {  	[smem:$0x3FB3] =	sst s8  }
0x11: {  	[smem:$0x3FB4] =	sst s9;
	s0 =	simm.s32 @!p0 $0x0  }
0x12: {  	s1 =	sld [smem:$0x3F9A];
	s0 =	simm.s32 @p0 $0x1  }
0x13: {  	[smem:$0x3FB5] =	sst s0;
	s0 =	simm.s32 @!p1 $0x0  }
0x14: {  	s2 =	sld [smem:$0x3F99];
	s0 =	simm.s32 @p1 $0x1  }
0x15: {  	[smem:$0x3FB6] =	sst s0;
	s0 =	simm.s32 @!p2 $0x0  }
0x16: {  	s3 =	sld [smem:$0x3FDB];
	s0 =	simm.s32 @p2 $0x1  }
0x17: {  	s4 =	simm.s32 $0x1BF5;
	[smem:$0x3FB8] =	sst s0  }
0x18: {  	s0 =	sld [smem:$0x3F9B];
	_ =	swait.ge [sflag:s4], $0x0  }
0x19: {  	s7 =	sld [smem:$0x3F9C]  }
0x1a: {  	s8 =	sadd.s32 $0xFFFFE003, lr  }
0x1b: {  	s9 =	sadd.s32 $0xFFFFFEF7, lr;
	s5 =	simm.s32 $0xFFFFFFFF;
	p2 =	slt.u32 s8, $0xFFFFF086  }
0x1c: {  	p1 =	slt.u32 s9, $0xF7A;
	s5 =	simm.s32 @!p2 $0x0  }
0x1d: {  	s5 =	simm.s32 @p1 $0x1;
	p0 =	seq.s32 s7, s2  }
0x1e: {  	s7 =	smul.u32 @!p0 $0xF7A, s2;
	p2 =	seq.s32 @!p0 s5, $0x0  }
0x1f: {  	s9 =	smul.u32 $0xF7A, s1;
	s8 =	simm.s32 @!p0 $0x1BF5;
	p2 =	por !p2, p0  }
0x20: {  	[sflag:s8] =	ssyncset.s32 @!p0 $0xFFFFF086;
	s6 =	sadd.s32 @!p0 s3, s7;
	s7 =	simm.s32 @!p0 $0x108  }
0x21: {  	s3 =	sadd.s32 s3, s9;
	s6 =	sadd.s32 @!p0 $0x88, s6;
	s7 =	simm.s32 @p2 $0x1082  }
0x22: {  	[simem:s7], [sflag:s8] =	dma.local @!p0 [hbm:s6], $0xF7A  }
0x23: {  	s9 =	sor.u32 $0xD0000000, s2;
	s6 =	simm.s32 $0x108;
	_ =	swait.ge @!p0 [sflag:s8], $0x0  }
0x24: {  	s3 =	sadd.s32 $0x88, s3;
	s6 =	simm.s32 @!p1 $0x1082;
	[sflag:s4] =	ssyncset.s32 $0xFFFFF086  }
0x25: {  	[simem:s6], [sflag:s4] =	dma.local [hbm:s3], $0xF7A  }
0x26: {  	[smem:$0x3F9C] =	sst s1;
	(tag) =	ssettag s2;
	_ =	strace s9  }
0x27: {  	s1 =	sld [smem:$0x3FAC]  }
0x28: {  	s2 =	sld [smem:$0x3FAD]  }
0x29: {  	s4 =	sld [smem:$0x3FAF]  }
0x2a: {  	p0 =	seq.s32 s5, $0x0;
	s5 =	sld [smem:$0x3FB0]  }
0x2b: {  	s6 =	sld [smem:$0x3FB1]  }
0x2c: {  	s7 =	sld [smem:$0x3FB2]  }
0x2d: {  	s3 =	simm.s32 $0x108;
	s8 =	sld [smem:$0x3FB3]  }
0x2e: {  	s3 =	simm.s32 @!p0 $0x1082;
	s9 =	sld [smem:$0x3FB4]  }
0x2f: {  	lr =	sadd.s32 s0, s3;
	s0 =	sld [smem:$0x3FAB]  }
0x30: {  	s3 =	sld [smem:$0x3FAE]  }
0x31: {  	[smem:$0x3FB7] =	sst s10  }
0x32: {  	s10 =	sld [smem:$0x3FB5];
	_ =	sdelay $0x3  }
0x33: {  	p0 =	seq.s32 s10, $0x1;
	s10 =	sld [smem:$0x3FB7];
	_ =	sdelay $0x3  }
0x34: {  	[smem:$0x3FB7] =	sst s10  }
0x35: {  	s10 =	sld [smem:$0x3FB6];
	_ =	sdelay $0x3  }
0x36: {  	p1 =	seq.s32 s10, $0x1;
	s10 =	sld [smem:$0x3FB7];
	_ =	sdelay $0x3  }
0x37: {  	[smem:$0x3FB7] =	sst s10  }
0x38: {  	s10 =	sld [smem:$0x3FB8]  }
0x39: {  	_ = 	snop;
	(pc) =	sbr.ind lr, $3  }
0x3a: {  	_ = 	snop  }
0x3b: {  	_ = 	snop  }
0x3c: {  	p2 =	seq.s32 s10, $0x1;
	s10 =	sld [smem:$0x3FB7]  }
0x3d: {  	_ =	shalt  }
0x3e: {  	_ =	shalt  }
0x3f: {  	_ =	shalt  }
0x40: {  	_ =	shalt  }
0x41: {  	_ =	shalt  }
0x42: {  	_ =	shalt  }
0x43: {  	_ =	shalt  }
0x44: {  	_ =	shalt  }
0x45: {  	_ =	shalt  }
0x46: {  	_ =	shalt  }
0x47: {  	_ =	shalt  }
0x48: {  	_ =	shalt  }
0x49: {  	_ =	shalt  }
0x4a: {  	_ =	shalt  }
0x4b: {  	_ =	shalt  }
0x4c: {  	_ =	shalt  }
0x4d: {  	_ =	shalt  }
0x4e: {  	_ =	shalt  }
0x4f: {  	_ =	shalt  }
0x50: {  	_ =	shalt  }
0x51: {  	_ =	shalt  }
0x52: {  	_ =	shalt  }
0x53: {  	_ =	shalt  }
0x54: {  	_ =	shalt  }
0x55: {  	_ =	shalt  }
0x56: {  	_ =	shalt  }
0x57: {  	_ =	shalt  }
0x58: {  	_ =	shalt  }
0x59: {  	_ =	shalt  }
0x5a: {  	_ =	shalt  }
0x5b: {  	_ =	shalt  }
0x5c: {  	_ =	shalt  }
0x5d: {  	_ =	shalt  }
0x5e: {  	_ =	shalt  }
0x5f: {  	_ =	shalt  }
0x60: {  	_ =	shalt  }
0x61: {  	_ =	shalt  }
0x62: {  	_ =	shalt  }
0x63: {  	_ =	shalt  }
0x64: {  	_ =	shalt  }
0x65: {  	_ =	shalt  }
0x66: {  	_ =	shalt  }
0x67: {  	_ =	shalt  }
0x68: {  	_ =	shalt  }
0x69: {  	_ =	shalt  }
0x6a: {  	_ =	shalt  }
0x6b: {  	_ =	shalt  }
0x6c: {  	_ =	shalt  }
0x6d: {  	_ =	shalt  }
0x6e: {  	_ =	shalt  }
0x6f: {  	_ =	shalt  }
0x70: {  	_ =	shalt  }
0x71: {  	_ =	shalt  }
0x72: {  	_ =	shalt  }
0x73: {  	_ =	shalt  }
0x74: {  	_ =	shalt  }
0x75: {  	_ =	shalt  }
0x76: {  	_ =	shalt  }
0x77: {  	_ =	shalt  }
0x78: {  	_ =	shalt  }
0x79: {  	_ =	shalt  }
0x7a: {  	_ =	shalt  }
0x7b: {  	_ =	shalt  }
0x7c: {  	_ =	shalt  }
0x7d: {  	_ =	shalt  }
0x7e: {  	_ =	shalt  }
0x7f: {  	_ =	shalt  }
0x80: {  	_ =	shalt  }
0x81: {  	_ =	shalt  }
0x82: {  	_ =	shalt  }
0x83: {  	_ =	shalt  }
0x84: {  	_ =	shalt  }
0x85: {  	_ =	shalt  }
0x86: {  	_ =	shalt  }
0x87: {  	_ =	shalt  }
.Lfunc_end0:
.L_simem_size_0:
called_computation_lowered:
.L_overlay_start_0:
0x88: {  	s2 =	sld [smem:$0x3FD9]  }
0x89: {  	s3 =	sld [smem:$0x3FFE];
	_ =	sdelay $0x1  }
0x8a: {  	s1 =	srdreg.scid  }
0x8b: {  	s0 =	sand.u32 $0x1, s1  }
0x8c: {  	s17 =	sshll.u32 s0, $0xA;
	s2 =	sadd.s32 s3, s2  }
0x8d: {  	s2 =	sadd.s32 s2, s17  }
0x8e: {  	[smem:$0x3FC3] =	sst s2  }
0x8f: {  	_ = 	snop  }
0x90: {  	s2 =	sld [smem:$0x3FC9]  }
0x91: {  	s18 =	sld [smem:$0x3FC8]  }
0x92: {  	s4 =	sld [smem:$0x3FC7];
	(tm) =	ssettm $0x1  }
0x93: {  	s5 =	sld [smem:$0x3FFB];
	_ =	sdelay $0x3  }
0x94: {  	_ =	strace s5  }
0x95: {  	s5 =	sld [smem:$0x3FFC];
	_ =	sdelay $0x3  }
0x96: {  	_ =	strace s5  }
0x97: {  	s5 =	sld [smem:$0x3FFD];
	_ =	sdelay $0x3  }
0x98: {  	_ =	strace s5  }
0x99: {  	_ =	strace $0x8FFFFFFF  }
0x9a: {  	s19 =	sld [smem:$0x3FDB];
	_ =	sdelay $0x1  }
0x9b: {  	s6 =	simm.s32 $_scs_section_size  }
0x9c: {  	s7 =	simm.s32 $_size__tile_overlayer_lowered;
	s8 =	simm.s32 $_tile_overlayer_lowered  }
0x9d: {  	s22 =	simm.s32 $0x1BFF;
	s21 =	sshll.u32 s8, $0x1;
	s5 =	sadd.s32 s6, s19  }
0x9e: {  	s9 =	simm.s32 $0x0;
	s20 =	sshll.u32 s7, $0x1;
	s7 =	sadd.s32 s21, s5  }
0x9f: {  	[timem:s9], [sflag:s22] =	dma.local [hbm:s7], s20  }
0xa0: {  	_ =	swait.ge [sflag:s22], s20  }
0xa1: {  	s6 =	ssub.s32 $0x0, s20;
	[sflag:s22] =	ssyncset.done $0x0  }
0xa2: {  	[sflag:s22] =	ssyncadd.s32 s6;
	_ =	sdelay $0x1  }
0xa3: {  	s23 =	simm.s32 $0x1B8B  }
0xa4: {  	_ =	swait.ge [sflag:s23], $0x1  }
0xa5: {  	[sflag:s23] =	ssyncset.done $0x0  }
0xa6: {  	s25 =	simm.s32 $0x1B8E;
	s24 =	sld [smem:$0x3FFE];
	[sflag:s23] =	ssyncadd.s32 $0xFFFFFFFF  }
0xa7: {  	s26 =	simm.s32 $execute0_lowered;
	[smem:$0x3FD2] =	sst s25  }
0xa8: {  	s7 =	sshll.u32 s26, $0x1;
	_ =	strace $0x80000046;
	[dreg:$0x1] =	wrdreg $0xFFFFFFFF  }
0xa9: {  	s28 =	simm.s32 $_size_execute0_lowered;
	s5 =	sadd.s32 s5, s7;
	[dreg:$0x0] =	wrdreg $0x0  }
0xaa: {  	s7 =	sshll.u32 s28, $0x1;
	[dreg:$0x2] =	wrdreg s5  }
0xab: {  	[dreg:$0x3] =	wrdreg s7  }
0xac: {  	[dreg:$0x4] =	wrdreg $0xC0  }
0xad: {  	_ =	task [dreg:s9], $0x5FFFF  }
0xae: {  	[dreg:$0x1] =	wrdreg $0xFFFFFFFF  }
0xaf: {  	[dreg:$0x0] =	wrdreg $0x60  }
0xb0: {  	[dreg:$0x2] =	wrdreg s2  }
0xb1: {  	[dreg:$0x3] =	wrdreg s18  }
0xb2: {  	[dreg:$0x4] =	wrdreg s4  }
0xb3: {  	[dreg:$0x5] =	wrdreg s24  }
0xb4: {  	[dreg:$0x6] =	wrdreg $0x9  }
0xb5: {  	_ =	task.clear_ibuf [dreg:s9], $0x7FFFF;
	_ =	strace $0x90000046  }
0xb6: {  	s29 =	simm.s32 $0x9;
	_ =	strace $0x80000048  }
0xb7: {  	_ =	swait.ge [sflag:s29], $0x1  }
0xb8: {  	[sflag:s29] =	ssyncadd.s32 $0xFFFFFFFF  }
0xb9: {  	_ =	strace $0x90000048  }
0xba: {  	_ =	sfence  }
0xbb: {  	s30 =	sld [smem:$0x0];
	_ =	sdelay $0x2  }
0xbc: {  	s31 =	sshll.u32 s1, $0xD;
	s1 =	sshrl.u32 s1, $0x2  }
0xbd: {  	s3 =	sand.u32 $0x4000, s31;
	s1 =	sadd.s32 s1, s30  }
0xbe: {  	s0 =	sor.u32 s3, s0;
	s1 =	sshll.u32 s1, $0x11  }
0xbf: {  	s0 =	sor.u32 s1, s0  }
0xc0: {  	s0 =	sadd.s32 $0x8F2B, s0  }
0xc1: {  	[sflag:s0] =	ssyncadd.remote.s32 $0x1  }
0xc2: {  	_ =	sfence.sel $0xFFFF  }
0xc3: {  	[dreg:$0x0] =	wrdreg $0xFFFFFFFF;
	(pc) =	sbr.abs _section_cstart, $3  }
0xc4: {  	[dreg:$0x1] =	wrdreg $0xFFFFFFFF  }
0xc5: {  	_ =	task.clear_ibuf [dreg:s9], $0x2FFFF;
	_ =	strace $0x9FFFFFFF  }
0xc6: {  	(tm) =	ssettm $0x7FFFFFFF  }
0xc7: {  	_ =	shalt  }
tec
execute0_lowered:
.L_overlay_start_1:
0x0: {  	(tag) =	ssettag $0x1  }
0x1: {  	s0 =	rddreg [dreg:$0x0]  }
0x2: {  	s1 =	rddreg [dreg:$0x1]  }
0x3: {  	s3 =	rddreg [dreg:$0x2]  }
0x4: {  	s4 =	rddreg [dreg:$0x3]  }
0x5: {  	s2 =	srdreg.scid;
	s6 =	stileid.u32  }
0x6: {  	s12 =	simm.s32 $0x200;
	s13 =	simm.s32 $0x400;
	s11 =	simm.s32 $0x80  }
0x7: {  	s14 =	simm.s32 $0xE00;
	s15 =	simm.s32 $0x280;
	s16 =	simm.s32 $0x2E00  }
0x8: {  	s17 =	simm.s32 $0x480;
	s18 =	simm.s32 $0x4E00;
	p0 =	por $0x0, $0x0  }
0x9: {  	s28 =	simm.s32 $0x380;
	s29 =	simm.s32 $0x3E00;
	s30 =	simm.s32 $0x580  }
0xa: {  	s31 =	simm.s32 $0x5E00;
	s10 =	simm.s32 $0x1;
	s5 =	sand.u32 $0x1, s2  }
0xb: {  	s2 =	simm.s32 $0x0;
	s6 =	sshll.u32 s6, $0x3;
	s9 =	sadd.s32 $0xF43400, s4  }
0xc: {  	s8 =	sadd.s32 $0x112BA00, s4;
	s7 =	sshll.u32 s5, $0x2;
	[smem:$0x7FF] =	sst s2  }
0xd: {  	s22 =	ssub.s32 $0x2, s5;
	s5 =	simm.s32 $0x4600;
	s6 =	sor.u32 s7, s6  }
0xe: {  	_ =	strace $0x80000047;
	s24 =	sshrl.u32 s22, $0x1;
	s7 =	sshll.u32 s6, $0x4  }
0xf: {  	s6 =	sshll.u32 s6, $0x8;
	s0 =	sadd.s32 s0, s7;
	s19 =	sadd.s32 s1, s7  }
0x10: {  	s20 =	sadd.s32 s6, s4;
	s21 =	sadd.s32 s3, s7;
	s3 =	ssub.s32 s22, s24  }
0x11: {  	s7 =	simm.s32 $0x600;
	s6 =	simm.s32 $0x2600;
	[dreg:$0x5] =	wrdreg s0  }
0x12: {  	s22 =	simm.s32 $0x3600;
	[dreg:$0x6] =	wrdreg s19;
	s26 =	smax.u32 s3, $0x1  }
0x13: {  	s24 =	simm.s32 $0x5600;
	[dreg:$0x7] =	wrdreg s21;
	p1 =	sne.s32 s26, $0x1  }
.Ltmp0:
0x14: {  	s23 =	sadd.s32 $0x1000, s20;
	s25 =	sadd.s32 $0x9000, s20;
	(pc) =	sbr.rel @!p1 .LBB2_3-.Ltmp0, $4  }
0x15: {  	s4 =	sadd.s32 $0x11000, s20;
	s3 =	simm.s32 $0x2;
	s19 =	simm.s32 $0x100  }
0x16: {  	s20 =	simm.s32 $0x1600;
	s21 =	simm.s32 $0x300;
	[dreg:$0x8] =	wrdreg s23  }
0x17: {  	[dreg:$0x9] =	wrdreg s25;
	s23 =	simm.s32 $0x500;
	s25 =	simm.s32 $0x180  }
0x18: {  	s0 =	sadd.s32 $0xFFFFFFFF, s26;
	s26 =	simm.s32 $0x1E00;
	s1 =	rddreg [dreg:$0x5]  }
0x19: {  	[tilespmem:s2], [sflag:$0x2] =	stream.linear.gather [hbm4b:s1+s2], $0x200, $0x38;
	[tilespmem:$0x6600] =	vst v63  }
0x1a: {  	_ =	swait.ge [sflag:s3], $0x200  }
0x1b: {  	[sflag:s3] =	ssyncset.done $0x0  }
0x1c: {  	s1 =	rddreg [dreg:$0x6];
	[sflag:s3] =	ssyncadd.s32 $0xFFFFFE00  }
0x1d: {  	[tilespmem:s12], [sflag:$0x2] =	stream.linear.gather [hbm4b:s1+s2], $0x200, $0x38;
	[tilespmem:$0x6600] =	vst v63  }
0x1e: {  	_ =	swait.ge [sflag:s3], $0x200  }
0x1f: {  	[sflag:s3] =	ssyncset.done $0x0  }
0x20: {  	s1 =	rddreg [dreg:$0x7];
	[sflag:s3] =	ssyncadd.s32 $0xFFFFFE00  }
0x21: {  	[tilespmem:s13], [sflag:$0x2] =	stream.linear.gather [hbm4b:s1+s2], $0x200, $0x38;
	[tilespmem:$0x6600] =	vst v63  }
0x22: {  	_ =	swait.ge [sflag:s3], $0x200  }
0x23: {  	[sflag:s3] =	ssyncset.done $0x0  }
0x24: {  	[sflag:s3] =	ssyncadd.s32 $0xFFFFFE00  }
0x25: {  	[tilespmem:s7], [sflag:$0x1] =	stream.indirect.gather [hbm4b:s9+s11], $0x10, s2, s11, $0xb8;
	[tilespmem:$0x6600] =	vst v63  }
0x26: {  	_ = 	snop  }
0x27: {  	[tilespmem:s6], [sflag:$0x1] =	stream.indirect.gather [hbm4b:s8+s11], $0x10, s12, s11, $0xb8;
	[tilespmem:$0x6600] =	vst v63  }
0x28: {  	_ = 	snop  }
0x29: {  	[tilespmem:s5], [sflag:$0x1] =	stream.indirect.gather [hbm4b:s8+s11], $0x10, s13, s11, $0xb8;
	[tilespmem:$0x6600] =	vst v63  }
0x2a: {  	_ = 	snop  }
0x2b: {  	[tilespmem:s14], [sflag:$0x1] =	stream.indirect.gather [hbm4b:s9+s11], $0x10, s11, s11, $0xb8;
	[tilespmem:$0x6600] =	vst v63  }
0x2c: {  	_ = 	snop  }
0x2d: {  	[tilespmem:s16], [sflag:$0x1] =	stream.indirect.gather [hbm4b:s8+s11], $0x10, s15, s11, $0xb8;
	[tilespmem:$0x6600] =	vst v63  }
0x2e: {  	_ = 	snop  }
0x2f: {  	[tilespmem:s18], [sflag:$0x1] =	stream.indirect.gather [hbm4b:s8+s11], $0x10, s17, s11, $0xb8;
	[tilespmem:$0x6600] =	vst v63  }
0x30: {  	_ = 	snop  }
0x31: {  	[tilespmem:s20], [sflag:$0x1] =	stream.indirect.gather [hbm4b:s9+s11], $0x10, s19, s11, $0xb8;
	[tilespmem:$0x6600] =	vst v63  }
0x32: {  	_ = 	snop  }
0x33: {  	[tilespmem:s22], [sflag:$0x1] =	stream.indirect.gather [hbm4b:s8+s11], $0x10, s21, s11, $0xb8;
	[tilespmem:$0x6600] =	vst v63  }
0x34: {  	_ = 	snop  }
0x35: {  	[tilespmem:s24], [sflag:$0x1] =	stream.indirect.gather [hbm4b:s8+s11], $0x10, s23, s11, $0xb8;
	[tilespmem:$0x6600] =	vst v63  }
0x36: {  	_ = 	snop  }
0x37: {  	[tilespmem:s26], [sflag:$0x1] =	stream.indirect.gather [hbm4b:s9+s11], $0x10, s25, s11, $0xb8;
	[tilespmem:$0x6600] =	vst v63  }
0x38: {  	_ = 	snop  }
0x39: {  	[tilespmem:s29], [sflag:$0x1] =	stream.indirect.gather [hbm4b:s8+s11], $0x10, s28, s11, $0xb8;
	[tilespmem:$0x6600] =	vst v63  }
0x3a: {  	_ = 	snop  }
0x3b: {  	[tilespmem:s31], [sflag:$0x1] =	stream.indirect.gather [hbm4b:s8+s11], $0x10, s30, s11, $0xb8;
	[tilespmem:$0x6600] =	vst v63  }
0x3c: {  	_ =	swait.ge [sflag:s10], $0x800  }
0x3d: {  	[sflag:s10] =	ssyncset.done $0x0  }
0x3e: {  	[sflag:s10] =	ssyncadd.s32 $0xFFFFF800  }
0x3f: {  	_ =	swait.ge [sflag:s10], $0x800  }
0x40: {  	[sflag:s10] =	ssyncset.done $0x0  }
0x41: {  	[sflag:s10] =	ssyncadd.s32 $0xFFFFF800  }
0x42: {  	_ =	swait.ge [sflag:s10], $0x800  }
0x43: {  	[sflag:s10] =	ssyncset.done $0x0  }
0x44: {  	[sflag:s10] =	ssyncadd.s32 $0xFFFFF800  }
0x45: {  	_ =	swait.ge [sflag:s10], $0x800  }
0x46: {  	[sflag:s10] =	ssyncset.done $0x0  }
0x47: {  	[sflag:s10] =	ssyncadd.s32 $0xFFFFF800  }
0x48: {  	_ =	swait.ge [sflag:s10], $0x800  }
0x49: {  	[sflag:s10] =	ssyncset.done $0x0  }
0x4a: {  	[sflag:s10] =	ssyncadd.s32 $0xFFFFF800  }
0x4b: {  	_ =	swait.ge [sflag:s10], $0x800  }
0x4c: {  	[sflag:s10] =	ssyncset.done $0x0  }
0x4d: {  	[sflag:s10] =	ssyncadd.s32 $0xFFFFF800  }
0x4e: {  	_ =	swait.ge [sflag:s10], $0x800  }
0x4f: {  	[sflag:s10] =	ssyncset.done $0x0  }
0x50: {  	[sflag:s10] =	ssyncadd.s32 $0xFFFFF800  }
0x51: {  	_ =	swait.ge [sflag:s10], $0x800  }
0x52: {  	[sflag:s10] =	ssyncset.done $0x0  }
0x53: {  	[sflag:s10] =	ssyncadd.s32 $0xFFFFF800  }
0x54: {  	_ =	swait.ge [sflag:s10], $0x800  }
0x55: {  	[sflag:s10] =	ssyncset.done $0x0  }
0x56: {  	[sflag:s10] =	ssyncadd.s32 $0xFFFFF800  }
0x57: {  	_ =	swait.ge [sflag:s10], $0x800  }
0x58: {  	[sflag:s10] =	ssyncset.done $0x0  }
0x59: {  	[sflag:s10] =	ssyncadd.s32 $0xFFFFF800  }
0x5a: {  	_ =	swait.ge [sflag:s10], $0x800  }
0x5b: {  	[sflag:s10] =	ssyncset.done $0x0  }
0x5c: {  	[sflag:s10] =	ssyncadd.s32 $0xFFFFF800  }
0x5d: {  	_ =	swait.ge [sflag:s10], $0x800  }
0x5e: {  	[sflag:s10] =	ssyncset.done $0x0  }
0x5f: {  	s1 =	rddreg [dreg:$0x8];
	[sflag:s10] =	ssyncadd.s32 $0xFFFFF800  }
0x60: {  	[hbm4b:s1+s2] =	stream.linear.scatter [tilespmem:s7], [sflag:$0x2], $0x2000, $0x38;
	[tilespmem:$0x6600] =	vst v63  }
0x61: {  	_ =	swait.ge [sflag:s3], $0x2000  }
0x62: {  	[sflag:s3] =	ssyncset.done $0x0  }
0x63: {  	s1 =	rddreg [dreg:$0x9];
	[sflag:s3] =	ssyncadd.s32 $0xFFFFE000  }
0x64: {  	[hbm4b:s1+s2] =	stream.linear.scatter [tilespmem:s6], [sflag:$0x2], $0x2000, $0x38;
	[tilespmem:$0x6600] =	vst v63  }
0x65: {  	p1 =	sne.s32 s0, $0x1;
	_ =	swait.ge [sflag:s3], $0x2000  }
.Ltmp1:
0x66: {  	[sflag:s3] =	ssyncset.done $0x0;
	(pc) =	sbr.rel @!p1 .LBB2_3-.Ltmp1, $4  }
0x67: {  	[sflag:s3] =	ssyncadd.s32 $0xFFFFE000  }
0x68: {  	[hbm4b:s4+s2] =	stream.linear.scatter [tilespmem:s5], [sflag:$0x2], $0x2000, $0x38;
	[tilespmem:$0x6600] =	vst v63  }
0x69: {  	s0 =	sadd.s32 $0xFFFFFFFF, s0;
	_ =	swait.ge [sflag:s3], $0x2000  }
0x6a: {  	p0 =	por $0x1, $0x1;
	s1 =	rddreg [dreg:$0x5];
	[sflag:s3] =	ssyncset.done $0x0  }
.LBB2_2:
0x6b: {  	[sflag:s3] =	ssyncadd.s32 $0xFFFFE000  }
0x6c: {  	[tilespmem:s2], [sflag:$0x2] =	stream.linear.gather [hbm4b:s1+s2], $0x200, $0x38;
	[tilespmem:$0x6600] =	vst v63  }
0x6d: {  	_ =	swait.ge [sflag:s3], $0x200  }
0x6e: {  	[sflag:s3] =	ssyncset.done $0x0  }
0x6f: {  	s1 =	rddreg [dreg:$0x6];
	[sflag:s3] =	ssyncadd.s32 $0xFFFFFE00  }
0x70: {  	[tilespmem:s12], [sflag:$0x2] =	stream.linear.gather [hbm4b:s1+s2], $0x200, $0x38;
	[tilespmem:$0x6600] =	vst v63  }
0x71: {  	_ =	swait.ge [sflag:s3], $0x200  }
0x72: {  	[sflag:s3] =	ssyncset.done $0x0  }
0x73: {  	s1 =	rddreg [dreg:$0x7];
	[sflag:s3] =	ssyncadd.s32 $0xFFFFFE00  }
0x74: {  	[tilespmem:s13], [sflag:$0x2] =	stream.linear.gather [hbm4b:s1+s2], $0x200, $0x38;
	[tilespmem:$0x6600] =	vst v63  }
0x75: {  	_ =	swait.ge [sflag:s3], $0x200  }
0x76: {  	[sflag:s3] =	ssyncset.done $0x0  }
0x77: {  	[sflag:s3] =	ssyncadd.s32 $0xFFFFFE00  }
0x78: {  	[tilespmem:s7], [sflag:$0x1] =	stream.indirect.gather [hbm4b:s9+s11], $0x10, s2, s11, $0xb8;
	[tilespmem:$0x6600] =	vst v63  }
0x79: {  	_ = 	snop  }
0x7a: {  	[tilespmem:s6], [sflag:$0x1] =	stream.indirect.gather [hbm4b:s8+s11], $0x10, s12, s11, $0xb8;
	[tilespmem:$0x6600] =	vst v63  }
0x7b: {  	_ = 	snop  }
0x7c: {  	[tilespmem:s5], [sflag:$0x1] =	stream.indirect.gather [hbm4b:s8+s11], $0x10, s13, s11, $0xb8;
	[tilespmem:$0x6600] =	vst v63  }
0x7d: {  	_ = 	snop  }
0x7e: {  	[tilespmem:s14], [sflag:$0x1] =	stream.indirect.gather [hbm4b:s9+s11], $0x10, s11, s11, $0xb8;
	[tilespmem:$0x6600] =	vst v63  }
0x7f: {  	_ = 	snop  }
0x80: {  	[tilespmem:s16], [sflag:$0x1] =	stream.indirect.gather [hbm4b:s8+s11], $0x10, s15, s11, $0xb8;
	[tilespmem:$0x6600] =	vst v63  }
0x81: {  	_ = 	snop  }
0x82: {  	[tilespmem:s18], [sflag:$0x1] =	stream.indirect.gather [hbm4b:s8+s11], $0x10, s17, s11, $0xb8;
	[tilespmem:$0x6600] =	vst v63  }
0x83: {  	_ = 	snop  }
0x84: {  	[tilespmem:s20], [sflag:$0x1] =	stream.indirect.gather [hbm4b:s9+s11], $0x10, s19, s11, $0xb8;
	[tilespmem:$0x6600] =	vst v63  }
0x85: {  	_ = 	snop  }
0x86: {  	[tilespmem:s22], [sflag:$0x1] =	stream.indirect.gather [hbm4b:s8+s11], $0x10, s21, s11, $0xb8;
	[tilespmem:$0x6600] =	vst v63  }
0x87: {  	_ = 	snop  }
0x88: {  	[tilespmem:s24], [sflag:$0x1] =	stream.indirect.gather [hbm4b:s8+s11], $0x10, s23, s11, $0xb8;
	[tilespmem:$0x6600] =	vst v63  }
0x89: {  	_ = 	snop  }
0x8a: {  	[tilespmem:s26], [sflag:$0x1] =	stream.indirect.gather [hbm4b:s9+s11], $0x10, s25, s11, $0xb8;
	[tilespmem:$0x6600] =	vst v63  }
0x8b: {  	_ = 	snop  }
0x8c: {  	[tilespmem:s29], [sflag:$0x1] =	stream.indirect.gather [hbm4b:s8+s11], $0x10, s28, s11, $0xb8;
	[tilespmem:$0x6600] =	vst v63  }
0x8d: {  	_ = 	snop  }
0x8e: {  	[tilespmem:s31], [sflag:$0x1] =	stream.indirect.gather [hbm4b:s8+s11], $0x10, s30, s11, $0xb8;
	[tilespmem:$0x6600] =	vst v63  }
0x8f: {  	_ =	swait.ge [sflag:s10], $0x800  }
0x90: {  	[sflag:s10] =	ssyncset.done $0x0  }
0x91: {  	[sflag:s10] =	ssyncadd.s32 $0xFFFFF800  }
0x92: {  	_ =	swait.ge [sflag:s10], $0x800  }
0x93: {  	[sflag:s10] =	ssyncset.done $0x0  }
0x94: {  	[sflag:s10] =	ssyncadd.s32 $0xFFFFF800  }
0x95: {  	_ =	swait.ge [sflag:s10], $0x800  }
0x96: {  	[sflag:s10] =	ssyncset.done $0x0  }
0x97: {  	[sflag:s10] =	ssyncadd.s32 $0xFFFFF800  }
0x98: {  	_ =	swait.ge [sflag:s10], $0x800  }
0x99: {  	[sflag:s10] =	ssyncset.done $0x0  }
0x9a: {  	[sflag:s10] =	ssyncadd.s32 $0xFFFFF800  }
0x9b: {  	_ =	swait.ge [sflag:s10], $0x800  }
0x9c: {  	[sflag:s10] =	ssyncset.done $0x0  }
0x9d: {  	[sflag:s10] =	ssyncadd.s32 $0xFFFFF800  }
0x9e: {  	_ =	swait.ge [sflag:s10], $0x800  }
0x9f: {  	[sflag:s10] =	ssyncset.done $0x0  }
0xa0: {  	[sflag:s10] =	ssyncadd.s32 $0xFFFFF800  }
0xa1: {  	_ =	swait.ge [sflag:s10], $0x800  }
0xa2: {  	[sflag:s10] =	ssyncset.done $0x0  }
0xa3: {  	[sflag:s10] =	ssyncadd.s32 $0xFFFFF800  }
0xa4: {  	_ =	swait.ge [sflag:s10], $0x800  }
0xa5: {  	[sflag:s10] =	ssyncset.done $0x0  }
0xa6: {  	[sflag:s10] =	ssyncadd.s32 $0xFFFFF800  }
0xa7: {  	_ =	swait.ge [sflag:s10], $0x800  }
0xa8: {  	[sflag:s10] =	ssyncset.done $0x0  }
0xa9: {  	[sflag:s10] =	ssyncadd.s32 $0xFFFFF800  }
0xaa: {  	_ =	swait.ge [sflag:s10], $0x800  }
0xab: {  	[sflag:s10] =	ssyncset.done $0x0  }
0xac: {  	[sflag:s10] =	ssyncadd.s32 $0xFFFFF800  }
0xad: {  	_ =	swait.ge [sflag:s10], $0x800  }
0xae: {  	[sflag:s10] =	ssyncset.done $0x0  }
0xaf: {  	[sflag:s10] =	ssyncadd.s32 $0xFFFFF800  }
0xb0: {  	_ =	swait.ge [sflag:s10], $0x800  }
0xb1: {  	[sflag:s10] =	ssyncset.done $0x0  }
0xb2: {  	s1 =	rddreg [dreg:$0x8];
	[sflag:s10] =	ssyncadd.s32 $0xFFFFF800  }
0xb3: {  	[hbm4b:s1+s2] =	stream.linear.scatter [tilespmem:s7], [sflag:$0x2], $0x2000, $0x38;
	[tilespmem:$0x6600] =	vst v63  }
0xb4: {  	_ =	swait.ge [sflag:s3], $0x2000  }
0xb5: {  	[sflag:s3] =	ssyncset.done $0x0  }
0xb6: {  	s1 =	rddreg [dreg:$0x9];
	[sflag:s3] =	ssyncadd.s32 $0xFFFFE000  }
0xb7: {  	[hbm4b:s1+s2] =	stream.linear.scatter [tilespmem:s6], [sflag:$0x2], $0x2000, $0x38;
	[tilespmem:$0x6600] =	vst v63  }
0xb8: {  	p1 =	sne.s32 s0, $0x1;
	_ =	swait.ge [sflag:s3], $0x2000  }
.Ltmp2:
0xb9: {  	[sflag:s3] =	ssyncset.done $0x0;
	(pc) =	sbr.rel @p1 .LBB2_2-.Ltmp2, $4  }
0xba: {  	[sflag:s3] =	ssyncadd.s32 $0xFFFFE000  }
0xbb: {  	[hbm4b:s4+s2] =	stream.linear.scatter [tilespmem:s5], [sflag:$0x2], $0x2000, $0x38;
	[tilespmem:$0x6600] =	vst v63  }
0xbc: {  	_ =	swait.ge [sflag:s3], $0x2000  }
0xbd: {  	s0 =	sadd.s32 $0xFFFFFFFF, s0;
	s1 =	rddreg [dreg:$0x5];
	[sflag:s3] =	ssyncset.done $0x0  }
.LBB2_3:
0xbe: {  	[sflag:s3] =	ssyncadd.s32 @p0 $0xFFFFE000  }
0xbf: {  	[tilespmem:s2], [sflag:$0x2] =	stream.linear.gather [hbm4b:s1+s2], $0x200, $0x38;
	[tilespmem:$0x6600] =	vst v63  }
0xc0: {  	_ =	swait.ge [sflag:s3], $0x200  }
0xc1: {  	[sflag:s3] =	ssyncset.done $0x0  }
0xc2: {  	s0 =	rddreg [dreg:$0x6];
	[sflag:s3] =	ssyncadd.s32 $0xFFFFFE00  }
0xc3: {  	[tilespmem:s12], [sflag:$0x2] =	stream.linear.gather [hbm4b:s0+s2], $0x200, $0x38;
	[tilespmem:$0x6600] =	vst v63  }
0xc4: {  	_ =	swait.ge [sflag:s3], $0x200  }
0xc5: {  	[sflag:s3] =	ssyncset.done $0x0  }
0xc6: {  	s1 =	rddreg [dreg:$0x7];
	[sflag:s3] =	ssyncadd.s32 $0xFFFFFE00  }
0xc7: {  	[tilespmem:s13], [sflag:$0x2] =	stream.linear.gather [hbm4b:s1+s2], $0x200, $0x38;
	[tilespmem:$0x6600] =	vst v63  }
0xc8: {  	_ =	swait.ge [sflag:s3], $0x200  }
0xc9: {  	[sflag:s3] =	ssyncset.done $0x0  }
0xca: {  	[sflag:s3] =	ssyncadd.s32 $0xFFFFFE00  }
0xcb: {  	[tilespmem:s7], [sflag:$0x1] =	stream.indirect.gather [hbm4b:s9+s11], $0x10, s2, s11, $0xb8;
	[tilespmem:$0x6600] =	vst v63  }
0xcc: {  	_ = 	snop  }
0xcd: {  	[tilespmem:s6], [sflag:$0x1] =	stream.indirect.gather [hbm4b:s8+s11], $0x10, s12, s11, $0xb8;
	[tilespmem:$0x6600] =	vst v63  }
0xce: {  	_ = 	snop  }
0xcf: {  	[tilespmem:s5], [sflag:$0x1] =	stream.indirect.gather [hbm4b:s8+s11], $0x10, s13, s11, $0xb8;
	[tilespmem:$0x6600] =	vst v63  }
0xd0: {  	_ = 	snop  }
0xd1: {  	[tilespmem:s14], [sflag:$0x1] =	stream.indirect.gather [hbm4b:s9+s11], $0x10, s11, s11, $0xb8;
	[tilespmem:$0x6600] =	vst v63  }
0xd2: {  	_ = 	snop  }
0xd3: {  	[tilespmem:s16], [sflag:$0x1] =	stream.indirect.gather [hbm4b:s8+s11], $0x10, s15, s11, $0xb8;
	[tilespmem:$0x6600] =	vst v63  }
0xd4: {  	_ = 	snop  }
0xd5: {  	[tilespmem:s18], [sflag:$0x1] =	stream.indirect.gather [hbm4b:s8+s11], $0x10, s17, s11, $0xb8;
	[tilespmem:$0x6600] =	vst v63  }
0xd6: {  	_ = 	snop  }
0xd7: {  	[tilespmem:s20], [sflag:$0x1] =	stream.indirect.gather [hbm4b:s9+s11], $0x10, s19, s11, $0xb8;
	[tilespmem:$0x6600] =	vst v63  }
0xd8: {  	_ = 	snop  }
0xd9: {  	[tilespmem:s22], [sflag:$0x1] =	stream.indirect.gather [hbm4b:s8+s11], $0x10, s21, s11, $0xb8;
	[tilespmem:$0x6600] =	vst v63  }
0xda: {  	_ = 	snop  }
0xdb: {  	[tilespmem:s24], [sflag:$0x1] =	stream.indirect.gather [hbm4b:s8+s11], $0x10, s23, s11, $0xb8;
	[tilespmem:$0x6600] =	vst v63  }
0xdc: {  	_ = 	snop  }
0xdd: {  	[tilespmem:s26], [sflag:$0x1] =	stream.indirect.gather [hbm4b:s9+s11], $0x10, s25, s11, $0xb8;
	[tilespmem:$0x6600] =	vst v63  }
0xde: {  	_ = 	snop  }
0xdf: {  	[tilespmem:s29], [sflag:$0x1] =	stream.indirect.gather [hbm4b:s8+s11], $0x10, s28, s11, $0xb8;
	[tilespmem:$0x6600] =	vst v63  }
0xe0: {  	_ = 	snop  }
0xe1: {  	[tilespmem:s31], [sflag:$0x1] =	stream.indirect.gather [hbm4b:s8+s11], $0x10, s30, s11, $0xb8;
	[tilespmem:$0x6600] =	vst v63  }
0xe2: {  	_ =	swait.ge [sflag:s10], $0x800  }
0xe3: {  	[sflag:s10] =	ssyncset.done $0x0  }
0xe4: {  	[sflag:s10] =	ssyncadd.s32 $0xFFFFF800  }
0xe5: {  	_ =	swait.ge [sflag:s10], $0x800  }
0xe6: {  	[sflag:s10] =	ssyncset.done $0x0  }
0xe7: {  	[sflag:s10] =	ssyncadd.s32 $0xFFFFF800  }
0xe8: {  	_ =	swait.ge [sflag:s10], $0x800  }
0xe9: {  	[sflag:s10] =	ssyncset.done $0x0  }
0xea: {  	[sflag:s10] =	ssyncadd.s32 $0xFFFFF800  }
0xeb: {  	_ =	swait.ge [sflag:s10], $0x800  }
0xec: {  	[sflag:s10] =	ssyncset.done $0x0  }
0xed: {  	[sflag:s10] =	ssyncadd.s32 $0xFFFFF800  }
0xee: {  	_ =	swait.ge [sflag:s10], $0x800  }
0xef: {  	[sflag:s10] =	ssyncset.done $0x0  }
0xf0: {  	[sflag:s10] =	ssyncadd.s32 $0xFFFFF800  }
0xf1: {  	_ =	swait.ge [sflag:s10], $0x800  }
0xf2: {  	[sflag:s10] =	ssyncset.done $0x0  }
0xf3: {  	[sflag:s10] =	ssyncadd.s32 $0xFFFFF800  }
0xf4: {  	_ =	swait.ge [sflag:s10], $0x800  }
0xf5: {  	[sflag:s10] =	ssyncset.done $0x0  }
0xf6: {  	[sflag:s10] =	ssyncadd.s32 $0xFFFFF800  }
0xf7: {  	_ =	swait.ge [sflag:s10], $0x800  }
0xf8: {  	[sflag:s10] =	ssyncset.done $0x0  }
0xf9: {  	[sflag:s10] =	ssyncadd.s32 $0xFFFFF800  }
0xfa: {  	_ =	swait.ge [sflag:s10], $0x800  }
0xfb: {  	[sflag:s10] =	ssyncset.done $0x0  }
0xfc: {  	[sflag:s10] =	ssyncadd.s32 $0xFFFFF800  }
0xfd: {  	_ =	swait.ge [sflag:s10], $0x800  }
0xfe: {  	[sflag:s10] =	ssyncset.done $0x0  }
0xff: {  	[sflag:s10] =	ssyncadd.s32 $0xFFFFF800  }
0x100: {  	_ =	swait.ge [sflag:s10], $0x800  }
0x101: {  	[sflag:s10] =	ssyncset.done $0x0  }
0x102: {  	[sflag:s10] =	ssyncadd.s32 $0xFFFFF800  }
0x103: {  	_ =	swait.ge [sflag:s10], $0x800  }
0x104: {  	[sflag:s10] =	ssyncset.done $0x0  }
0x105: {  	s29 =	rddreg [dreg:$0x8];
	[sflag:s10] =	ssyncadd.s32 $0xFFFFF800  }
0x106: {  	[hbm4b:s29+s2] =	stream.linear.scatter [tilespmem:s7], [sflag:$0x2], $0x2000, $0x38;
	[tilespmem:$0x6600] =	vst v63  }
0x107: {  	_ =	swait.ge [sflag:s3], $0x2000  }
0x108: {  	[sflag:s3] =	ssyncset.done $0x0  }
0x109: {  	s30 =	rddreg [dreg:$0x9];
	[sflag:s3] =	ssyncadd.s32 $0xFFFFE000  }
0x10a: {  	[hbm4b:s30+s2] =	stream.linear.scatter [tilespmem:s6], [sflag:$0x2], $0x2000, $0x38;
	[tilespmem:$0x6600] =	vst v63  }
0x10b: {  	_ =	swait.ge [sflag:s3], $0x2000  }
0x10c: {  	[sflag:s3] =	ssyncset.done $0x0  }
0x10d: {  	[sflag:s3] =	ssyncadd.s32 $0xFFFFE000  }
0x10e: {  	[hbm4b:s4+s2] =	stream.linear.scatter [tilespmem:s5], [sflag:$0x2], $0x2000, $0x38;
	[tilespmem:$0x6600] =	vst v63  }
0x10f: {  	_ =	swait.ge [sflag:s3], $0x2000  }
0x110: {  	[sflag:s3] =	ssyncset.done $0x0  }
0x111: {  	[sflag:s3] =	ssyncadd.s32 $0xFFFFE000  }
0x112: {  	_ =	sfence.sel $0x180000  }
0x113: {  	[bflag:$0x0] =	sbarrier.arrive $0xFFFF  }
0x114: {  	_ =	strace $0x90000047  }
0x115: {  	s31 =	stileid.u32;
	[bflag:$0x2] =	sbarrier.arrive $0xFFFF  }
0x116: {  	p0 =	sne.s32 s31, $0x0;
	s0 =	rddreg [dreg:$0x4]  }
0x117: {  	s0 =	sadd.s32 @!p0 $0x100000, s0  }
0x118: {  	[sflag:s0] =	ssyncadd.tile.s32 @!p0 $0x1;
	_ =	shalt  }
.Lfunc_end2:
_tile_overlayer_lowered:
.L_overlay_start_2:
0x119: {  	(tag) =	ssettag $0x2  }
0x11a: {  	s0 =	rddreg [dreg:$0x0];
	s2 =	stileid.u32  }
0x11b: {  	s1 =	rddreg [dreg:$0x1];
	p0 =	sne.s32 s2, $0x0  }
0x11c: {  	s3 =	rddreg [dreg:$0x2];
	[bflag:$0x3] =	sbarrier.arrive $0xFFFF;
	s2 =	simm.s32 @!p0 $0x1C02  }
0x11d: {  	[timem:s3], [sflag:s2] =	dma.local @!p0 [hbm:s0], s1  }
0x11e: {  	s0 =	simm.s32 @!p0 $0x2  }
0x11f: {  	_ =	swait.ge @!p0 [sflag:s0], s1  }
0x120: {  	s1 =	ssub.s32 @!p0 $0x0, s1;
	[sflag:s0] =	ssyncset.done @!p0 $0x0  }
0x121: {  	[sflag:s0] =	ssyncadd.s32 @!p0 s1  }
0x122: {  	[bflag:$0x3] =	sbarrier.arrive $0xFFFF  }
0x123: {  	_ =	shalt  }

</sc_bundles>
